<compile_context>
chip_gen: v7x
topology: tpu7x:2x2x1
jax: 0.10.2.dev20260603
libtpu: 0.0.44.dev20260713+nightly
codegen_flags: <defaults>
</compile_context>

<pallas_src>
import functools

import jax
import jax.numpy as jnp
from jax import lax
from jax.experimental import pallas as pl
from jax.experimental.pallas import tpu as pltpu
import jax.experimental.pallas.tpu_sc as plsc

N = 10000
E = 160000
D = 256
DH = 128
NC = 2
NS = 16
K = 80
DEPTH = 4
IDEPTH = DEPTH + 1
KD = 125
ROWS_PER_TILE = 624
TAIL_ROWS = N - NS * ROWS_PER_TILE
RB = 2000
GRID = N // RB




def _deg_body(dst_hbm, ones_hbm, zeros_hbm, deg_out, dst_v, ones_v, deg_sh,
              dsem):
    c = lax.axis_index("c")
    s = lax.axis_index("s")
    nch = dst_hbm.shape[2]
    pltpu.sync_copy(dst_hbm.at[c, s], dst_v)
    pltpu.sync_copy(ones_hbm, ones_v)

    @pl.when(s == 0)
    def _():
        pltpu.sync_copy(zeros_hbm, deg_sh)

    plsc.subcore_barrier()

    WIN = 4

    for g in range(WIN):
        pltpu.async_copy(ones_v, deg_sh.at[dst_v.at[g]], dsem, add=True)

    def body(g, carry):
        pltpu.make_async_copy(ones_v, deg_sh.at[dst_v.at[0]], dsem).wait()

        @pl.when(g + WIN < nch)
        def _():
            pltpu.async_copy(ones_v, deg_sh.at[dst_v.at[g + WIN]], dsem,
                             add=True)

        return carry

    lax.fori_loop(0, nch, body, 0, unroll=False)
    plsc.subcore_barrier()

    @pl.when(s == 0)
    def _():
        pltpu.sync_copy(deg_sh, deg_out.at[c])


def _deg_call(dst_r, ones, zeros):
    mesh = plsc.VectorSubcoreMesh(core_axis_name="c", subcore_axis_name="s")
    nch = dst_r.shape[2]
    return pl.kernel(
        _deg_body,
        out_type=jax.ShapeDtypeStruct((NC, N), jnp.float32),
        mesh=mesh,
        scratch_types=[
            pltpu.VMEM((nch, KD), jnp.int32),
            pltpu.VMEM((KD,), jnp.float32),
            pltpu.VMEM_SHARED((N,), jnp.float32),
            pltpu.SemaphoreType.DMA,
        ],
    )(dst_r, ones, zeros)




def _agg_body(hp_hbm, ei_hbm, raw_out, idx_v, rows_v, acc_sh,
              gsem, ssem, isem, asem):
    c = lax.axis_index("c")
    s = lax.axis_index("s")
    nch = ei_hbm.shape[1]
    init = pltpu.async_copy(
        hp_hbm.at[c, pl.ds(s * ROWS_PER_TILE, ROWS_PER_TILE)],
        acc_sh.at[pl.ds(s * ROWS_PER_TILE, ROWS_PER_TILE)], asem)

    @pl.when(s == 0)
    def _():
        pltpu.async_copy(hp_hbm.at[c, pl.ds(NS * ROWS_PER_TILE, TAIL_ROWS)],
                         acc_sh.at[pl.ds(NS * ROWS_PER_TILE, TAIL_ROWS)],
                         asem)

    def drain_gather():
        pltpu.make_async_copy(hp_hbm.at[c].at[idx_v.at[0, 0]], rows_v.at[0],
                              gsem).wait()

    def drain_idx():
        pltpu.make_async_copy(ei_hbm.at[s, 0], idx_v.at[0], isem).wait()

    def drain_scatter():
        pltpu.make_async_copy(rows_v.at[0], acc_sh.at[idx_v.at[0, 1]],
                              ssem).wait()

    for j in range(DEPTH):
        pltpu.async_copy(ei_hbm.at[s, j], idx_v.at[j], isem)
    for j in range(DEPTH - 1):
        drain_idx()
        pltpu.async_copy(hp_hbm.at[c].at[idx_v.at[j, 0]], rows_v.at[j], gsem)

    init.wait()

    @pl.when(s == 0)
    def _():
        pltpu.make_async_copy(
            hp_hbm.at[c, pl.ds(NS * ROWS_PER_TILE, TAIL_ROWS)],
            acc_sh.at[pl.ds(NS * ROWS_PER_TILE, TAIL_ROWS)], asem).wait()

    plsc.subcore_barrier()

    def body(g, carry):
        b = lax.rem(g, DEPTH)
        bi = lax.rem(g, IDEPTH)
        drain_gather()
        pltpu.async_copy(rows_v.at[b], acc_sh.at[idx_v.at[bi, 1]], ssem,
                         add=True)

        @pl.when(g >= 1)
        def _():
            drain_scatter()

        @pl.when(g + DEPTH < nch)
        def _():
            gi = g + DEPTH
            pltpu.async_copy(ei_hbm.at[s, gi], idx_v.at[lax.rem(gi, IDEPTH)],
                             isem)

        @pl.when(g + DEPTH - 1 < nch)
        def _():
            gn = g + DEPTH - 1
            drain_idx()
            pltpu.async_copy(hp_hbm.at[c].at[idx_v.at[lax.rem(gn, IDEPTH), 0]],
                             rows_v.at[lax.rem(gn, DEPTH)], gsem)

        return carry

    lax.fori_loop(0, nch, body, 0, unroll=False)
    drain_scatter()
    plsc.subcore_barrier()
    pltpu.sync_copy(acc_sh.at[pl.ds(s * ROWS_PER_TILE, ROWS_PER_TILE)],
                    raw_out.at[c, pl.ds(s * ROWS_PER_TILE, ROWS_PER_TILE)])

    @pl.when(s == 0)
    def _():
        pltpu.sync_copy(acc_sh.at[pl.ds(NS * ROWS_PER_TILE, TAIL_ROWS)],
                        raw_out.at[c, pl.ds(NS * ROWS_PER_TILE, TAIL_ROWS)])


def _agg_call(hp, ei_c):
    mesh = plsc.VectorSubcoreMesh(core_axis_name="c", subcore_axis_name="s")
    return pl.kernel(
        _agg_body,
        out_type=jax.ShapeDtypeStruct((NC, N, DH), jnp.float32),
        mesh=mesh,
        scratch_types=[
            pltpu.VMEM((IDEPTH, 2, K), jnp.int32),
            pltpu.VMEM((DEPTH, K, DH), jnp.float32),
            pltpu.VMEM_SHARED((N, DH), jnp.float32),
            pltpu.SemaphoreType.DMA,
            pltpu.SemaphoreType.DMA,
            pltpu.SemaphoreType.DMA,
            pltpu.SemaphoreType.DMA,
        ],
    )(hp, ei_c)




def _dis_from(deg_ref):
    dval = deg_ref[...]
    d = dval[0, 0, :] + dval[0, 1, :] + 1.0
    return lax.rsqrt(d)


def _mmscale_body(x_ref, w_ref, deg_ref, hp_ref):
    dis = _dis_from(deg_ref)
    h = jnp.dot(x_ref[...], w_ref[...], preferred_element_type=jnp.float32)
    hs = h * dis[:, None]
    hp_ref[0] = hs[:, :DH]
    hp_ref[1] = hs[:, DH:]


def _mmscale_call(x, W, deg_r):
    return pl.pallas_call(
        _mmscale_body,
        grid=(GRID,),
        in_specs=[
            pl.BlockSpec((RB, D), lambda i: (i, 0)),
            pl.BlockSpec((D, D), lambda i: (0, 0)),
            pl.BlockSpec((1, NC, RB), lambda i: (i, 0, 0)),
        ],
        out_specs=pl.BlockSpec((NC, RB, DH), lambda i: (0, i, 0)),
        out_shape=jax.ShapeDtypeStruct((NC, N, DH), jnp.float32),
    )(x, W, deg_r)


def _final_body(raw_ref, deg_ref, b_ref, o_ref):
    dis = _dis_from(deg_ref)
    r = jnp.concatenate([raw_ref[0], raw_ref[1]], axis=-1)
    o_ref[...] = dis[:, None] * r + b_ref[...]


def _final_call(raw, deg_r, b2):
    return pl.pallas_call(
        _final_body,
        grid=(GRID,),
        in_specs=[
            pl.BlockSpec((NC, RB, DH), lambda i: (0, i, 0)),
            pl.BlockSpec((1, NC, RB), lambda i: (i, 0, 0)),
            pl.BlockSpec((1, D), lambda i: (0, 0)),
        ],
        out_specs=pl.BlockSpec((RB, D), lambda i: (i, 0)),
        out_shape=jax.ShapeDtypeStruct((N, D), jnp.float32),
    )(raw, deg_r, b2)




def kernel(x, edge_index, W, b):
    src = edge_index[0].astype(jnp.int32)
    dst = edge_index[1].astype(jnp.int32)
    dst_a = dst.reshape(NC, NS, E // (NC * NS * KD), KD)
    nch = E // (NS * K)
    ei_c = jnp.stack([src.reshape(NS, nch, K), dst.reshape(NS, nch, K)],
                     axis=2)
    ones = jnp.ones((KD,), jnp.float32)
    zeros = jnp.zeros((N,), jnp.float32)

    deg_p = _deg_call(dst_a, ones, zeros)
    deg_r = deg_p.reshape(NC, GRID, RB).transpose(1, 0, 2)
    hp = _mmscale_call(x, W, deg_r)
    raw = _agg_call(hp, ei_c)
    return _final_call(raw, deg_r, b.reshape(1, D))

# --- scband reference (transcript-rebuilt; emitter-appended) ---
"""Pipeline reference for scband-encoder-5385888989907 (READ-ONLY COPY).

The authoritative reference and input builder live on the scoring server;
editing this copy changes nothing except your own understanding.
"""

import jax, jax.numpy as jnp
import numpy as np

N_NODES = 10000
N_EDGES = 160000
D_IN = 256
D_OUT = 256


def setup_inputs(seed: int = 0) -> dict:
    key = jax.random.key(seed)
    k1, k2, k3, k4 = jax.random.split(key, 4)
    x = jax.random.normal(k1, (N_NODES, D_IN), dtype=jnp.float32)
    edge_index = jax.random.randint(k2, (2, N_EDGES), 0, N_NODES, dtype=jnp.int64 if jax.config.jax_enable_x64 else jnp.int32)
    # GCNConv learned parameters (glorot/xavier init like torch, bias zero-init per weights_init)
    limit = float(np.sqrt(6.0 / (D_IN + D_OUT)))
    W = jax.random.uniform(k3, (D_IN, D_OUT), minval=-limit, maxval=limit, dtype=jnp.float32)
    b = jnp.zeros((D_OUT,), dtype=jnp.float32)
    return {"x": x, "edge_index": edge_index, "W": W, "b": b}


def reference(x, edge_index, W, b):
    # Encoder(base_model='gcn') -> GCN -> single GCNConv(nfeat, nhid)
    # PyG GCNConv: add self-loops, symmetric normalization D^{-1/2} A D^{-1/2},
    # linear transform, scatter-add aggregation at target nodes, then bias.
    n = x.shape[0]
    src = edge_index[0]
    dst = edge_index[1]
    loop = jnp.arange(n, dtype=src.dtype)
    src = jnp.concatenate([src, loop])
    dst = jnp.concatenate([dst, loop])
    ew = jnp.ones(src.shape[0], dtype=x.dtype)
    deg = jnp.zeros((n,), dtype=x.dtype).at[dst].add(ew)
    deg_inv_sqrt = jnp.where(deg > 0, deg ** -0.5, 0.0)
    norm = deg_inv_sqrt[src] * deg_inv_sqrt[dst]
    h = x @ W
    msg = h[src] * norm[:, None]
    out = jnp.zeros((n, W.shape[1]), dtype=x.dtype).at[dst].add(msg)
    out = out + b
    return out

if __name__ == "__main__":
    import jax
    _d = setup_inputs()
    print(jax.jit(kernel)(*tuple(_d.values())))

</pallas_src>

<mosaic_0001>
#map = affine_map<(d0, d1) -> (0, 0, 0)>
#map1 = affine_map<(d0, d1) -> (0, 0, 0, 0)>
module attributes {stable_mosaic.version = 14 : i64} {
  func.func @_agg_body(%arg0: i32, %arg1: i32, %arg2: memref<2x10000x128xf32, #tpu.memory_space<hbm>>, %arg3: memref<16x125x2x80xi32, #tpu.memory_space<hbm>>, %arg4: memref<2x10000x128xf32, #tpu.memory_space<hbm>>, %arg5: memref<5x2x80xi32, #tpu.memory_space<vmem>>, %arg6: memref<4x80x128xf32, #tpu.memory_space<vmem>>, %arg7: memref<10000x128xf32, #tpu.memory_space<vmem_shared>>, %arg8: memref<!tpu.dma_semaphore, #tpu.memory_space<semaphore_mem>>, %arg9: memref<!tpu.dma_semaphore, #tpu.memory_space<semaphore_mem>>, %arg10: memref<!tpu.dma_semaphore, #tpu.memory_space<semaphore_mem>>, %arg11: memref<!tpu.dma_semaphore, #tpu.memory_space<semaphore_mem>>) attributes {dimension_semantics = [#tpu.dimension_semantics<core_parallel>, #tpu.dimension_semantics<subcore_parallel>], iteration_bounds = array<i64: 2, 16>, scalar_prefetch = 0 : i64, scratch_operands = 7 : i64, tpu.core_type = #tpu.core_type<sc_vector_subcore>, window_params = [{transform_indices = #map}, {transform_indices = #map1}, {transform_indices = #map}]} {
    %mul3A = arith.constant 624 : i32
    %mul3A_0 = arith.muli %arg1, %mul3A : i32
    %mul3A_1 = arith.constant 624 : i32
    %mul3A_2 = arith.muli %arg1, %mul3A_1 : i32
    %dma_start3A = arith.constant 0 : i32
    %dma_start3A_3 = tpu.memref_slice %arg7[%mul3A_2, %dma_start3A] : memref<10000x128xf32, #tpu.memory_space<vmem_shared>> -> memref<624x128xf32, #tpu.memory_space<vmem_shared>>
    %dma_start3A_4 = arith.constant 0 : i32
    %dma_start3A_5 = tpu.memref_slice %arg2[%arg0, %mul3A_0, %dma_start3A_4] : memref<2x10000x128xf32, #tpu.memory_space<hbm>> -> memref<1x624x128xf32, #tpu.memory_space<hbm>>
    %dma_start3A_6 = tpu.memref_squeeze %dma_start3A_5 : memref<1x624x128xf32, #tpu.memory_space<hbm>> -> memref<624x128xf32, #tpu.memory_space<hbm>>
    tpu.enqueue_dma source(%dma_start3A_6 : memref<624x128xf32, #tpu.memory_space<hbm>>) target(%dma_start3A_3 : memref<624x128xf32, #tpu.memory_space<vmem_shared>>) target_semaphore(%arg11 : memref<!tpu.dma_semaphore, #tpu.memory_space<semaphore_mem>>)
    %eq3A = arith.constant 0 : i32
    %eq3A_7 = arith.cmpi eq, %arg1, %eq3A : i32
    %convert_element_type3A = arith.extui %eq3A_7 : i1 to i32
    %cond3A = arith.constant 0 : i32
    %cond3A_8 = arith.cmpi ne, %convert_element_type3A, %cond3A : i32
    scf.if %cond3A_8 {
      %dma_start3A_223 = arith.constant 9984 : i32
      %dma_start3A_224 = arith.constant 0 : i32
      %dma_start3A_225 = tpu.memref_slice %arg7[%dma_start3A_223, %dma_start3A_224] : memref<10000x128xf32, #tpu.memory_space<vmem_shared>> -> memref<16x128xf32, #tpu.memory_space<vmem_shared>>
      %dma_start3A_226 = arith.constant 9984 : i32
      %dma_start3A_227 = arith.constant 0 : i32
      %dma_start3A_228 = tpu.memref_slice %arg2[%arg0, %dma_start3A_226, %dma_start3A_227] : memref<2x10000x128xf32, #tpu.memory_space<hbm>> -> memref<1x16x128xf32, #tpu.memory_space<hbm>>
      %dma_start3A_229 = tpu.memref_squeeze %dma_start3A_228 : memref<1x16x128xf32, #tpu.memory_space<hbm>> -> memref<16x128xf32, #tpu.memory_space<hbm>>
      tpu.enqueue_dma source(%dma_start3A_229 : memref<16x128xf32, #tpu.memory_space<hbm>>) target(%dma_start3A_225 : memref<16x128xf32, #tpu.memory_space<vmem_shared>>) target_semaphore(%arg11 : memref<!tpu.dma_semaphore, #tpu.memory_space<semaphore_mem>>)
    } else {
    }
    %dma_start3A_9 = arith.constant 0 : i32
    %dma_start3A_10 = arith.constant 0 : i32
    %dma_start3A_11 = arith.constant 0 : i32
    %dma_start3A_12 = arith.constant 0 : i32
    %dma_start3A_13 = tpu.memref_slice %arg5[%dma_start3A_10, %dma_start3A_11, %dma_start3A_12] : memref<5x2x80xi32, #tpu.memory_space<vmem>> -> memref<1x2x80xi32, #tpu.memory_space<vmem>>
    %dma_start3A_14 = tpu.memref_squeeze %dma_start3A_13 : memref<1x2x80xi32, #tpu.memory_space<vmem>> -> memref<2x80xi32, #tpu.memory_space<vmem>>
    %dma_start3A_15 = arith.constant 0 : i32
    %dma_start3A_16 = arith.constant 0 : i32
    %dma_start3A_17 = tpu.memref_slice %arg3[%arg1, %dma_start3A_9, %dma_start3A_15, %dma_start3A_16] : memref<16x125x2x80xi32, #tpu.memory_space<hbm>> -> memref<1x1x2x80xi32, #tpu.memory_space<hbm>>
    %dma_start3A_18 = tpu.memref_squeeze %dma_start3A_17 : memref<1x1x2x80xi32, #tpu.memory_space<hbm>> -> memref<2x80xi32, #tpu.memory_space<hbm>>
    %dma_start3A_19 = arith.constant 0 : i32
    %dma_start3A_20 = arith.constant 0 : i32
    %dma_start3A_21 = tpu.memref_slice %arg5[%dma_start3A_10, %dma_start3A_19, %dma_start3A_20] : memref<5x2x80xi32, #tpu.memory_space<vmem>> -> memref<1x2x80xi32, #tpu.memory_space<vmem>>
    %dma_start3A_22 = tpu.memref_squeeze %dma_start3A_21 : memref<1x2x80xi32, #tpu.memory_space<vmem>> -> memref<2x80xi32, #tpu.memory_space<vmem>>
    %dma_start3A_23 = arith.constant 0 : i32
    %dma_start3A_24 = arith.constant 0 : i32
    %dma_start3A_25 = tpu.memref_slice %arg3[%arg1, %dma_start3A_9, %dma_start3A_23, %dma_start3A_24] : memref<16x125x2x80xi32, #tpu.memory_space<hbm>> -> memref<1x1x2x80xi32, #tpu.memory_space<hbm>>
    %dma_start3A_26 = tpu.memref_squeeze %dma_start3A_25 : memref<1x1x2x80xi32, #tpu.memory_space<hbm>> -> memref<2x80xi32, #tpu.memory_space<hbm>>
    tpu.enqueue_dma source(%dma_start3A_26 : memref<2x80xi32, #tpu.memory_space<hbm>>) target(%dma_start3A_22 : memref<2x80xi32, #tpu.memory_space<vmem>>) target_semaphore(%arg10 : memref<!tpu.dma_semaphore, #tpu.memory_space<semaphore_mem>>)
    %dma_start3A_27 = arith.constant 1 : i32
    %dma_start3A_28 = arith.constant 1 : i32
    %dma_start3A_29 = arith.constant 0 : i32
    %dma_start3A_30 = arith.constant 0 : i32
    %dma_start3A_31 = tpu.memref_slice %arg5[%dma_start3A_28, %dma_start3A_29, %dma_start3A_30] : memref<5x2x80xi32, #tpu.memory_space<vmem>> -> memref<1x2x80xi32, #tpu.memory_space<vmem>>
    %dma_start3A_32 = tpu.memref_squeeze %dma_start3A_31 : memref<1x2x80xi32, #tpu.memory_space<vmem>> -> memref<2x80xi32, #tpu.memory_space<vmem>>
    %dma_start3A_33 = arith.constant 0 : i32
    %dma_start3A_34 = arith.constant 0 : i32
    %dma_start3A_35 = tpu.memref_slice %arg3[%arg1, %dma_start3A_27, %dma_start3A_33, %dma_start3A_34] : memref<16x125x2x80xi32, #tpu.memory_space<hbm>> -> memref<1x1x2x80xi32, #tpu.memory_space<hbm>>
    %dma_start3A_36 = tpu.memref_squeeze %dma_start3A_35 : memref<1x1x2x80xi32, #tpu.memory_space<hbm>> -> memref<2x80xi32, #tpu.memory_space<hbm>>
    %dma_start3A_37 = arith.constant 0 : i32
    %dma_start3A_38 = arith.constant 0 : i32
    %dma_start3A_39 = tpu.memref_slice %arg5[%dma_start3A_28, %dma_start3A_37, %dma_start3A_38] : memref<5x2x80xi32, #tpu.memory_space<vmem>> -> memref<1x2x80xi32, #tpu.memory_space<vmem>>
    %dma_start3A_40 = tpu.memref_squeeze %dma_start3A_39 : memref<1x2x80xi32, #tpu.memory_space<vmem>> -> memref<2x80xi32, #tpu.memory_space<vmem>>
    %dma_start3A_41 = arith.constant 0 : i32
    %dma_start3A_42 = arith.constant 0 : i32
    %dma_start3A_43 = tpu.memref_slice %arg3[%arg1, %dma_start3A_27, %dma_start3A_41, %dma_start3A_42] : memref<16x125x2x80xi32, #tpu.memory_space<hbm>> -> memref<1x1x2x80xi32, #tpu.memory_space<hbm>>
    %dma_start3A_44 = tpu.memref_squeeze %dma_start3A_43 : memref<1x1x2x80xi32, #tpu.memory_space<hbm>> -> memref<2x80xi32, #tpu.memory_space<hbm>>
    tpu.enqueue_dma source(%dma_start3A_44 : memref<2x80xi32, #tpu.memory_space<hbm>>) target(%dma_start3A_40 : memref<2x80xi32, #tpu.memory_space<vmem>>) target_semaphore(%arg10 : memref<!tpu.dma_semaphore, #tpu.memory_space<semaphore_mem>>)
    %dma_start3A_45 = arith.constant 2 : i32
    %dma_start3A_46 = arith.constant 2 : i32
    %dma_start3A_47 = arith.constant 0 : i32
    %dma_start3A_48 = arith.constant 0 : i32
    %dma_start3A_49 = tpu.memref_slice %arg5[%dma_start3A_46, %dma_start3A_47, %dma_start3A_48] : memref<5x2x80xi32, #tpu.memory_space<vmem>> -> memref<1x2x80xi32, #tpu.memory_space<vmem>>
    %dma_start3A_50 = tpu.memref_squeeze %dma_start3A_49 : memref<1x2x80xi32, #tpu.memory_space<vmem>> -> memref<2x80xi32, #tpu.memory_space<vmem>>
    %dma_start3A_51 = arith.constant 0 : i32
    %dma_start3A_52 = arith.constant 0 : i32
    %dma_start3A_53 = tpu.memref_slice %arg3[%arg1, %dma_start3A_45, %dma_start3A_51, %dma_start3A_52] : memref<16x125x2x80xi32, #tpu.memory_space<hbm>> -> memref<1x1x2x80xi32, #tpu.memory_space<hbm>>
    %dma_start3A_54 = tpu.memref_squeeze %dma_start3A_53 : memref<1x1x2x80xi32, #tpu.memory_space<hbm>> -> memref<2x80xi32, #tpu.memory_space<hbm>>
    %dma_start3A_55 = arith.constant 0 : i32
    %dma_start3A_56 = arith.constant 0 : i32
    %dma_start3A_57 = tpu.memref_slice %arg5[%dma_start3A_46, %dma_start3A_55, %dma_start3A_56] : memref<5x2x80xi32, #tpu.memory_space<vmem>> -> memref<1x2x80xi32, #tpu.memory_space<vmem>>
    %dma_start3A_58 = tpu.memref_squeeze %dma_start3A_57 : memref<1x2x80xi32, #tpu.memory_space<vmem>> -> memref<2x80xi32, #tpu.memory_space<vmem>>
    %dma_start3A_59 = arith.constant 0 : i32
    %dma_start3A_60 = arith.constant 0 : i32
    %dma_start3A_61 = tpu.memref_slice %arg3[%arg1, %dma_start3A_45, %dma_start3A_59, %dma_start3A_60] : memref<16x125x2x80xi32, #tpu.memory_space<hbm>> -> memref<1x1x2x80xi32, #tpu.memory_space<hbm>>
    %dma_start3A_62 = tpu.memref_squeeze %dma_start3A_61 : memref<1x1x2x80xi32, #tpu.memory_space<hbm>> -> memref<2x80xi32, #tpu.memory_space<hbm>>
    tpu.enqueue_dma source(%dma_start3A_62 : memref<2x80xi32, #tpu.memory_space<hbm>>) target(%dma_start3A_58 : memref<2x80xi32, #tpu.memory_space<vmem>>) target_semaphore(%arg10 : memref<!tpu.dma_semaphore, #tpu.memory_space<semaphore_mem>>)
    %dma_start3A_63 = arith.constant 3 : i32
    %dma_start3A_64 = arith.constant 3 : i32
    %dma_start3A_65 = arith.constant 0 : i32
    %dma_start3A_66 = arith.constant 0 : i32
    %dma_start3A_67 = tpu.memref_slice %arg5[%dma_start3A_64, %dma_start3A_65, %dma_start3A_66] : memref<5x2x80xi32, #tpu.memory_space<vmem>> -> memref<1x2x80xi32, #tpu.memory_space<vmem>>
    %dma_start3A_68 = tpu.memref_squeeze %dma_start3A_67 : memref<1x2x80xi32, #tpu.memory_space<vmem>> -> memref<2x80xi32, #tpu.memory_space<vmem>>
    %dma_start3A_69 = arith.constant 0 : i32
    %dma_start3A_70 = arith.constant 0 : i32
    %dma_start3A_71 = tpu.memref_slice %arg3[%arg1, %dma_start3A_63, %dma_start3A_69, %dma_start3A_70] : memref<16x125x2x80xi32, #tpu.memory_space<hbm>> -> memref<1x1x2x80xi32, #tpu.memory_space<hbm>>
    %dma_start3A_72 = tpu.memref_squeeze %dma_start3A_71 : memref<1x1x2x80xi32, #tpu.memory_space<hbm>> -> memref<2x80xi32, #tpu.memory_space<hbm>>
    %dma_start3A_73 = arith.constant 0 : i32
    %dma_start3A_74 = arith.constant 0 : i32
    %dma_start3A_75 = tpu.memref_slice %arg5[%dma_start3A_64, %dma_start3A_73, %dma_start3A_74] : memref<5x2x80xi32, #tpu.memory_space<vmem>> -> memref<1x2x80xi32, #tpu.memory_space<vmem>>
    %dma_start3A_76 = tpu.memref_squeeze %dma_start3A_75 : memref<1x2x80xi32, #tpu.memory_space<vmem>> -> memref<2x80xi32, #tpu.memory_space<vmem>>
    %dma_start3A_77 = arith.constant 0 : i32
    %dma_start3A_78 = arith.constant 0 : i32
    %dma_start3A_79 = tpu.memref_slice %arg3[%arg1, %dma_start3A_63, %dma_start3A_77, %dma_start3A_78] : memref<16x125x2x80xi32, #tpu.memory_space<hbm>> -> memref<1x1x2x80xi32, #tpu.memory_space<hbm>>
    %dma_start3A_80 = tpu.memref_squeeze %dma_start3A_79 : memref<1x1x2x80xi32, #tpu.memory_space<hbm>> -> memref<2x80xi32, #tpu.memory_space<hbm>>
    tpu.enqueue_dma source(%dma_start3A_80 : memref<2x80xi32, #tpu.memory_space<hbm>>) target(%dma_start3A_76 : memref<2x80xi32, #tpu.memory_space<vmem>>) target_semaphore(%arg10 : memref<!tpu.dma_semaphore, #tpu.memory_space<semaphore_mem>>)
    %dma_wait3A = arith.constant 0 : i32
    %dma_wait3A_81 = arith.constant 0 : i32
    %dma_wait3A_82 = arith.constant 0 : i32
    %dma_wait3A_83 = arith.constant 0 : i32
    %dma_wait3A_84 = tpu.memref_slice %arg5[%dma_wait3A_81, %dma_wait3A_82, %dma_wait3A_83] : memref<5x2x80xi32, #tpu.memory_space<vmem>> -> memref<1x2x80xi32, #tpu.memory_space<vmem>>
    %dma_wait3A_85 = tpu.memref_squeeze %dma_wait3A_84 : memref<1x2x80xi32, #tpu.memory_space<vmem>> -> memref<2x80xi32, #tpu.memory_space<vmem>>
    %dma_wait3A_86 = arith.constant 0 : i32
    %dma_wait3A_87 = arith.constant 0 : i32
    %dma_wait3A_88 = tpu.memref_slice %arg3[%arg1, %dma_wait3A, %dma_wait3A_86, %dma_wait3A_87] : memref<16x125x2x80xi32, #tpu.memory_space<hbm>> -> memref<1x1x2x80xi32, #tpu.memory_space<hbm>>
    %dma_wait3A_89 = tpu.memref_squeeze %dma_wait3A_88 : memref<1x1x2x80xi32, #tpu.memory_space<hbm>> -> memref<2x80xi32, #tpu.memory_space<hbm>>
    %dma_wait3A_90 = arith.constant 0 : i32
    %dma_wait3A_91 = arith.constant 0 : i32
    %dma_wait3A_92 = tpu.memref_slice %arg5[%dma_wait3A_81, %dma_wait3A_90, %dma_wait3A_91] : memref<5x2x80xi32, #tpu.memory_space<vmem>> -> memref<1x2x80xi32, #tpu.memory_space<vmem>>
    %dma_wait3A_93 = tpu.memref_squeeze %dma_wait3A_92 : memref<1x2x80xi32, #tpu.memory_space<vmem>> -> memref<2x80xi32, #tpu.memory_space<vmem>>
    %dma_wait3A_94 = arith.constant 0 : i32
    %dma_wait3A_95 = arith.constant 0 : i32
    %dma_wait3A_96 = tpu.memref_slice %arg3[%arg1, %dma_wait3A, %dma_wait3A_94, %dma_wait3A_95] : memref<16x125x2x80xi32, #tpu.memory_space<hbm>> -> memref<1x1x2x80xi32, #tpu.memory_space<hbm>>
    %dma_wait3A_97 = tpu.memref_squeeze %dma_wait3A_96 : memref<1x1x2x80xi32, #tpu.memory_space<hbm>> -> memref<2x80xi32, #tpu.memory_space<hbm>>
    tpu.wait_dma2 semaphore(%arg10 : memref<!tpu.dma_semaphore, #tpu.memory_space<semaphore_mem>>) src(%dma_wait3A_97 : memref<2x80xi32, #tpu.memory_space<hbm>>) dst(%dma_wait3A_93 : memref<2x80xi32, #tpu.memory_space<vmem>>)
    %dma_start3A_98 = arith.constant 0 : i32
    %dma_start3A_99 = arith.constant 0 : i32
    %dma_start3A_100 = arith.constant 0 : i32
    %dma_start3A_101 = arith.constant 0 : i32
    %dma_start3A_102 = arith.constant 0 : i32
    %dma_start3A_103 = tpu.memref_slice %arg6[%dma_start3A_100, %dma_start3A_101, %dma_start3A_102] : memref<4x80x128xf32, #tpu.memory_space<vmem>> -> memref<1x80x128xf32, #tpu.memory_space<vmem>>
    %dma_start3A_104 = tpu.memref_squeeze %dma_start3A_103 : memref<1x80x128xf32, #tpu.memory_space<vmem>> -> memref<80x128xf32, #tpu.memory_space<vmem>>
    %dma_start3A_105 = arith.constant 0 : i32
    %dma_start3A_106 = tpu.memref_slice %arg5[%dma_start3A_98, %dma_start3A_99, %dma_start3A_105] : memref<5x2x80xi32, #tpu.memory_space<vmem>> -> memref<1x1x80xi32, #tpu.memory_space<vmem>>
    %dma_start3A_107 = tpu.memref_squeeze %dma_start3A_106 : memref<1x1x80xi32, #tpu.memory_space<vmem>> -> memref<80xi32, #tpu.memory_space<vmem>>
    %dma_start3A_108 = arith.constant 0 : i32
    %dma_start3A_109 = arith.constant 0 : i32
    %dma_start3A_110 = tpu.memref_slice %arg2[%arg0, %dma_start3A_108, %dma_start3A_109] : memref<2x10000x128xf32, #tpu.memory_space<hbm>> -> memref<1x10000x128xf32, #tpu.memory_space<hbm>>
    %dma_start3A_111 = tpu.memref_squeeze %dma_start3A_110 : memref<1x10000x128xf32, #tpu.memory_space<hbm>> -> memref<10000x128xf32, #tpu.memory_space<hbm>>
    %dma_start3A_112 = arith.constant 0 : i32
    %dma_start3A_113 = arith.constant 0 : i32
    %dma_start3A_114 = tpu.memref_slice %dma_start3A_111[%dma_start3A_112, %dma_start3A_113] : memref<10000x128xf32, #tpu.memory_space<hbm>> -> memref<10000x128xf32, #tpu.memory_space<hbm>>
    tpu.enqueue_indirect_dma source(%dma_start3A_114 : memref<10000x128xf32, #tpu.memory_space<hbm>>) target(%dma_start3A_104 : memref<80x128xf32, #tpu.memory_space<vmem>>) offsets(%dma_start3A_107 : memref<80xi32, #tpu.memory_space<vmem>>) semaphore(%arg8 : memref<!tpu.dma_semaphore, #tpu.memory_space<semaphore_mem>>)
    %dma_wait3A_115 = arith.constant 0 : i32
    %dma_wait3A_116 = arith.constant 0 : i32
    %dma_wait3A_117 = arith.constant 0 : i32
    %dma_wait3A_118 = arith.constant 0 : i32
    %dma_wait3A_119 = tpu.memref_slice %arg5[%dma_wait3A_116, %dma_wait3A_117, %dma_wait3A_118] : memref<5x2x80xi32, #tpu.memory_space<vmem>> -> memref<1x2x80xi32, #tpu.memory_space<vmem>>
    %dma_wait3A_120 = tpu.memref_squeeze %dma_wait3A_119 : memref<1x2x80xi32, #tpu.memory_space<vmem>> -> memref<2x80xi32, #tpu.memory_space<vmem>>
    %dma_wait3A_121 = arith.constant 0 : i32
    %dma_wait3A_122 = arith.constant 0 : i32
    %dma_wait3A_123 = tpu.memref_slice %arg3[%arg1, %dma_wait3A_115, %dma_wait3A_121, %dma_wait3A_122] : memref<16x125x2x80xi32, #tpu.memory_space<hbm>> -> memref<1x1x2x80xi32, #tpu.memory_space<hbm>>
    %dma_wait3A_124 = tpu.memref_squeeze %dma_wait3A_123 : memref<1x1x2x80xi32, #tpu.memory_space<hbm>> -> memref<2x80xi32, #tpu.memory_space<hbm>>
    %dma_wait3A_125 = arith.constant 0 : i32
    %dma_wait3A_126 = arith.constant 0 : i32
    %dma_wait3A_127 = tpu.memref_slice %arg5[%dma_wait3A_116, %dma_wait3A_125, %dma_wait3A_126] : memref<5x2x80xi32, #tpu.memory_space<vmem>> -> memref<1x2x80xi32, #tpu.memory_space<vmem>>
    %dma_wait3A_128 = tpu.memref_squeeze %dma_wait3A_127 : memref<1x2x80xi32, #tpu.memory_space<vmem>> -> memref<2x80xi32, #tpu.memory_space<vmem>>
    %dma_wait3A_129 = arith.constant 0 : i32
    %dma_wait3A_130 = arith.constant 0 : i32
    %dma_wait3A_131 = tpu.memref_slice %arg3[%arg1, %dma_wait3A_115, %dma_wait3A_129, %dma_wait3A_130] : memref<16x125x2x80xi32, #tpu.memory_space<hbm>> -> memref<1x1x2x80xi32, #tpu.memory_space<hbm>>
    %dma_wait3A_132 = tpu.memref_squeeze %dma_wait3A_131 : memref<1x1x2x80xi32, #tpu.memory_space<hbm>> -> memref<2x80xi32, #tpu.memory_space<hbm>>
    tpu.wait_dma2 semaphore(%arg10 : memref<!tpu.dma_semaphore, #tpu.memory_space<semaphore_mem>>) src(%dma_wait3A_132 : memref<2x80xi32, #tpu.memory_space<hbm>>) dst(%dma_wait3A_128 : memref<2x80xi32, #tpu.memory_space<vmem>>)
    %dma_start3A_133 = arith.constant 1 : i32
    %dma_start3A_134 = arith.constant 0 : i32
    %dma_start3A_135 = arith.constant 1 : i32
    %dma_start3A_136 = arith.constant 0 : i32
    %dma_start3A_137 = arith.constant 0 : i32
    %dma_start3A_138 = tpu.memref_slice %arg6[%dma_start3A_135, %dma_start3A_136, %dma_start3A_137] : memref<4x80x128xf32, #tpu.memory_space<vmem>> -> memref<1x80x128xf32, #tpu.memory_space<vmem>>
    %dma_start3A_139 = tpu.memref_squeeze %dma_start3A_138 : memref<1x80x128xf32, #tpu.memory_space<vmem>> -> memref<80x128xf32, #tpu.memory_space<vmem>>
    %dma_start3A_140 = arith.constant 0 : i32
    %dma_start3A_141 = tpu.memref_slice %arg5[%dma_start3A_133, %dma_start3A_134, %dma_start3A_140] : memref<5x2x80xi32, #tpu.memory_space<vmem>> -> memref<1x1x80xi32, #tpu.memory_space<vmem>>
    %dma_start3A_142 = tpu.memref_squeeze %dma_start3A_141 : memref<1x1x80xi32, #tpu.memory_space<vmem>> -> memref<80xi32, #tpu.memory_space<vmem>>
    %dma_start3A_143 = arith.constant 0 : i32
    %dma_start3A_144 = arith.constant 0 : i32
    %dma_start3A_145 = tpu.memref_slice %arg2[%arg0, %dma_start3A_143, %dma_start3A_144] : memref<2x10000x128xf32, #tpu.memory_space<hbm>> -> memref<1x10000x128xf32, #tpu.memory_space<hbm>>
    %dma_start3A_146 = tpu.memref_squeeze %dma_start3A_145 : memref<1x10000x128xf32, #tpu.memory_space<hbm>> -> memref<10000x128xf32, #tpu.memory_space<hbm>>
    %dma_start3A_147 = arith.constant 0 : i32
    %dma_start3A_148 = arith.constant 0 : i32
    %dma_start3A_149 = tpu.memref_slice %dma_start3A_146[%dma_start3A_147, %dma_start3A_148] : memref<10000x128xf32, #tpu.memory_space<hbm>> -> memref<10000x128xf32, #tpu.memory_space<hbm>>
    tpu.enqueue_indirect_dma source(%dma_start3A_149 : memref<10000x128xf32, #tpu.memory_space<hbm>>) target(%dma_start3A_139 : memref<80x128xf32, #tpu.memory_space<vmem>>) offsets(%dma_start3A_142 : memref<80xi32, #tpu.memory_space<vmem>>) semaphore(%arg8 : memref<!tpu.dma_semaphore, #tpu.memory_space<semaphore_mem>>)
    %dma_wait3A_150 = arith.constant 0 : i32
    %dma_wait3A_151 = arith.constant 0 : i32
    %dma_wait3A_152 = arith.constant 0 : i32
    %dma_wait3A_153 = arith.constant 0 : i32
    %dma_wait3A_154 = tpu.memref_slice %arg5[%dma_wait3A_151, %dma_wait3A_152, %dma_wait3A_153] : memref<5x2x80xi32, #tpu.memory_space<vmem>> -> memref<1x2x80xi32, #tpu.memory_space<vmem>>
    %dma_wait3A_155 = tpu.memref_squeeze %dma_wait3A_154 : memref<1x2x80xi32, #tpu.memory_space<vmem>> -> memref<2x80xi32, #tpu.memory_space<vmem>>
    %dma_wait3A_156 = arith.constant 0 : i32
    %dma_wait3A_157 = arith.constant 0 : i32
    %dma_wait3A_158 = tpu.memref_slice %arg3[%arg1, %dma_wait3A_150, %dma_wait3A_156, %dma_wait3A_157] : memref<16x125x2x80xi32, #tpu.memory_space<hbm>> -> memref<1x1x2x80xi32, #tpu.memory_space<hbm>>
    %dma_wait3A_159 = tpu.memref_squeeze %dma_wait3A_158 : memref<1x1x2x80xi32, #tpu.memory_space<hbm>> -> memref<2x80xi32, #tpu.memory_space<hbm>>
    %dma_wait3A_160 = arith.constant 0 : i32
    %dma_wait3A_161 = arith.constant 0 : i32
    %dma_wait3A_162 = tpu.memref_slice %arg5[%dma_wait3A_151, %dma_wait3A_160, %dma_wait3A_161] : memref<5x2x80xi32, #tpu.memory_space<vmem>> -> memref<1x2x80xi32, #tpu.memory_space<vmem>>
    %dma_wait3A_163 = tpu.memref_squeeze %dma_wait3A_162 : memref<1x2x80xi32, #tpu.memory_space<vmem>> -> memref<2x80xi32, #tpu.memory_space<vmem>>
    %dma_wait3A_164 = arith.constant 0 : i32
    %dma_wait3A_165 = arith.constant 0 : i32
    %dma_wait3A_166 = tpu.memref_slice %arg3[%arg1, %dma_wait3A_150, %dma_wait3A_164, %dma_wait3A_165] : memref<16x125x2x80xi32, #tpu.memory_space<hbm>> -> memref<1x1x2x80xi32, #tpu.memory_space<hbm>>
    %dma_wait3A_167 = tpu.memref_squeeze %dma_wait3A_166 : memref<1x1x2x80xi32, #tpu.memory_space<hbm>> -> memref<2x80xi32, #tpu.memory_space<hbm>>
    tpu.wait_dma2 semaphore(%arg10 : memref<!tpu.dma_semaphore, #tpu.memory_space<semaphore_mem>>) src(%dma_wait3A_167 : memref<2x80xi32, #tpu.memory_space<hbm>>) dst(%dma_wait3A_163 : memref<2x80xi32, #tpu.memory_space<vmem>>)
    %dma_start3A_168 = arith.constant 2 : i32
    %dma_start3A_169 = arith.constant 0 : i32
    %dma_start3A_170 = arith.constant 2 : i32
    %dma_start3A_171 = arith.constant 0 : i32
    %dma_start3A_172 = arith.constant 0 : i32
    %dma_start3A_173 = tpu.memref_slice %arg6[%dma_start3A_170, %dma_start3A_171, %dma_start3A_172] : memref<4x80x128xf32, #tpu.memory_space<vmem>> -> memref<1x80x128xf32, #tpu.memory_space<vmem>>
    %dma_start3A_174 = tpu.memref_squeeze %dma_start3A_173 : memref<1x80x128xf32, #tpu.memory_space<vmem>> -> memref<80x128xf32, #tpu.memory_space<vmem>>
    %dma_start3A_175 = arith.constant 0 : i32
    %dma_start3A_176 = tpu.memref_slice %arg5[%dma_start3A_168, %dma_start3A_169, %dma_start3A_175] : memref<5x2x80xi32, #tpu.memory_space<vmem>> -> memref<1x1x80xi32, #tpu.memory_space<vmem>>
    %dma_start3A_177 = tpu.memref_squeeze %dma_start3A_176 : memref<1x1x80xi32, #tpu.memory_space<vmem>> -> memref<80xi32, #tpu.memory_space<vmem>>
    %dma_start3A_178 = arith.constant 0 : i32
    %dma_start3A_179 = arith.constant 0 : i32
    %dma_start3A_180 = tpu.memref_slice %arg2[%arg0, %dma_start3A_178, %dma_start3A_179] : memref<2x10000x128xf32, #tpu.memory_space<hbm>> -> memref<1x10000x128xf32, #tpu.memory_space<hbm>>
    %dma_start3A_181 = tpu.memref_squeeze %dma_start3A_180 : memref<1x10000x128xf32, #tpu.memory_space<hbm>> -> memref<10000x128xf32, #tpu.memory_space<hbm>>
    %dma_start3A_182 = arith.constant 0 : i32
    %dma_start3A_183 = arith.constant 0 : i32
    %dma_start3A_184 = tpu.memref_slice %dma_start3A_181[%dma_start3A_182, %dma_start3A_183] : memref<10000x128xf32, #tpu.memory_space<hbm>> -> memref<10000x128xf32, #tpu.memory_space<hbm>>
    tpu.enqueue_indirect_dma source(%dma_start3A_184 : memref<10000x128xf32, #tpu.memory_space<hbm>>) target(%dma_start3A_174 : memref<80x128xf32, #tpu.memory_space<vmem>>) offsets(%dma_start3A_177 : memref<80xi32, #tpu.memory_space<vmem>>) semaphore(%arg8 : memref<!tpu.dma_semaphore, #tpu.memory_space<semaphore_mem>>)
    %dma_wait3A_185 = arith.constant 0 : i32
    %dma_wait3A_186 = tpu.memref_slice %arg7[%mul3A_2, %dma_wait3A_185] : memref<10000x128xf32, #tpu.memory_space<vmem_shared>> -> memref<624x128xf32, #tpu.memory_space<vmem_shared>>
    %dma_wait3A_187 = arith.constant 0 : i32
    %dma_wait3A_188 = tpu.memref_slice %arg2[%arg0, %mul3A_0, %dma_wait3A_187] : memref<2x10000x128xf32, #tpu.memory_space<hbm>> -> memref<1x624x128xf32, #tpu.memory_space<hbm>>
    %dma_wait3A_189 = tpu.memref_squeeze %dma_wait3A_188 : memref<1x624x128xf32, #tpu.memory_space<hbm>> -> memref<624x128xf32, #tpu.memory_space<hbm>>
    tpu.wait_dma2 semaphore(%arg11 : memref<!tpu.dma_semaphore, #tpu.memory_space<semaphore_mem>>) src(%dma_wait3A_189 : memref<624x128xf32, #tpu.memory_space<hbm>>) dst(%dma_wait3A_186 : memref<624x128xf32, #tpu.memory_space<vmem_shared>>)
    %eq3A_190 = arith.constant 0 : i32
    %eq3A_191 = arith.cmpi eq, %arg1, %eq3A_190 : i32
    %convert_element_type3A_192 = arith.extui %eq3A_191 : i1 to i32
    %cond3A_193 = arith.constant 0 : i32
    %cond3A_194 = arith.cmpi ne, %convert_element_type3A_192, %cond3A_193 : i32
    scf.if %cond3A_194 {
      %dma_wait3A_223 = arith.constant 9984 : i32
      %dma_wait3A_224 = arith.constant 0 : i32
      %dma_wait3A_225 = tpu.memref_slice %arg7[%dma_wait3A_223, %dma_wait3A_224] : memref<10000x128xf32, #tpu.memory_space<vmem_shared>> -> memref<16x128xf32, #tpu.memory_space<vmem_shared>>
      %dma_wait3A_226 = arith.constant 9984 : i32
      %dma_wait3A_227 = arith.constant 0 : i32
      %dma_wait3A_228 = tpu.memref_slice %arg2[%arg0, %dma_wait3A_226, %dma_wait3A_227] : memref<2x10000x128xf32, #tpu.memory_space<hbm>> -> memref<1x16x128xf32, #tpu.memory_space<hbm>>
      %dma_wait3A_229 = tpu.memref_squeeze %dma_wait3A_228 : memref<1x16x128xf32, #tpu.memory_space<hbm>> -> memref<16x128xf32, #tpu.memory_space<hbm>>
      tpu.wait_dma2 semaphore(%arg11 : memref<!tpu.dma_semaphore, #tpu.memory_space<semaphore_mem>>) src(%dma_wait3A_229 : memref<16x128xf32, #tpu.memory_space<hbm>>) dst(%dma_wait3A_225 : memref<16x128xf32, #tpu.memory_space<vmem_shared>>)
    } else {
    }
    %barrier3A = arith.constant 0 : index
    tpu.barrier barrier_id(%barrier3A)
    %scan3A = arith.constant 0 : i32
    %scan3A_195 = arith.constant 0 : i32
    %scan3A_196 = arith.constant 125 : i32
    %scan3A_197 = arith.addi %scan3A_195, %scan3A_196 : i32
    %scan3A_198 = arith.constant 1 : i32
    scf.for %scan3A_223 = %scan3A_195 to %scan3A_197 step %scan3A_198  : i32 {
      %rem3A = arith.constant 4 : i32
      %rem3A_224 = arith.remsi %scan3A_223, %rem3A : i32
      %rem3A_225 = arith.constant 5 : i32
      %rem3A_226 = arith.remsi %scan3A_223, %rem3A_225 : i32
      %dma_wait3A_227 = arith.constant 0 : i32
      %dma_wait3A_228 = arith.constant 0 : i32
      %dma_wait3A_229 = arith.constant 0 : i32
      %dma_wait3A_230 = arith.constant 0 : i32
      %dma_wait3A_231 = arith.constant 0 : i32
      %dma_wait3A_232 = tpu.memref_slice %arg6[%dma_wait3A_229, %dma_wait3A_230, %dma_wait3A_231] : memref<4x80x128xf32, #tpu.memory_space<vmem>> -> memref<1x80x128xf32, #tpu.memory_space<vmem>>
      %dma_wait3A_233 = tpu.memref_squeeze %dma_wait3A_232 : memref<1x80x128xf32, #tpu.memory_space<vmem>> -> memref<80x128xf32, #tpu.memory_space<vmem>>
      %dma_wait3A_234 = arith.constant 0 : i32
      %dma_wait3A_235 = tpu.memref_slice %arg5[%dma_wait3A_227, %dma_wait3A_228, %dma_wait3A_234] : memref<5x2x80xi32, #tpu.memory_space<vmem>> -> memref<1x1x80xi32, #tpu.memory_space<vmem>>
      %dma_wait3A_236 = tpu.memref_squeeze %dma_wait3A_235 : memref<1x1x80xi32, #tpu.memory_space<vmem>> -> memref<80xi32, #tpu.memory_space<vmem>>
      %dma_wait3A_237 = arith.constant 0 : i32
      %dma_wait3A_238 = arith.constant 0 : i32
      %dma_wait3A_239 = tpu.memref_slice %arg2[%arg0, %dma_wait3A_237, %dma_wait3A_238] : memref<2x10000x128xf32, #tpu.memory_space<hbm>> -> memref<1x10000x128xf32, #tpu.memory_space<hbm>>
      %dma_wait3A_240 = tpu.memref_squeeze %dma_wait3A_239 : memref<1x10000x128xf32, #tpu.memory_space<hbm>> -> memref<10000x128xf32, #tpu.memory_space<hbm>>
      %dma_wait3A_241 = arith.constant 0 : i32
      %dma_wait3A_242 = arith.constant 0 : i32
      %dma_wait3A_243 = tpu.memref_slice %dma_wait3A_240[%dma_wait3A_241, %dma_wait3A_242] : memref<10000x128xf32, #tpu.memory_space<hbm>> -> memref<10000x128xf32, #tpu.memory_space<hbm>>
      tpu.wait_indirect_dma semaphore(%arg8 : memref<!tpu.dma_semaphore, #tpu.memory_space<semaphore_mem>>) src(%dma_wait3A_243 : memref<10000x128xf32, #tpu.memory_space<hbm>>) dst(%dma_wait3A_233 : memref<80x128xf32, #tpu.memory_space<vmem>>)
      %dma_start3A_244 = arith.constant 1 : i32
      %dma_start3A_245 = arith.constant 0 : i32
      %dma_start3A_246 = arith.constant 0 : i32
      %dma_start3A_247 = tpu.memref_slice %arg6[%rem3A_224, %dma_start3A_245, %dma_start3A_246] : memref<4x80x128xf32, #tpu.memory_space<vmem>> -> memref<1x80x128xf32, #tpu.memory_space<vmem>>
      %dma_start3A_248 = tpu.memref_squeeze %dma_start3A_247 : memref<1x80x128xf32, #tpu.memory_space<vmem>> -> memref<80x128xf32, #tpu.memory_space<vmem>>
      %dma_start3A_249 = arith.constant 0 : i32
      %dma_start3A_250 = tpu.memref_slice %arg5[%rem3A_226, %dma_start3A_244, %dma_start3A_249] : memref<5x2x80xi32, #tpu.memory_space<vmem>> -> memref<1x1x80xi32, #tpu.memory_space<vmem>>
      %dma_start3A_251 = tpu.memref_squeeze %dma_start3A_250 : memref<1x1x80xi32, #tpu.memory_space<vmem>> -> memref<80xi32, #tpu.memory_space<vmem>>
      %dma_start3A_252 = arith.constant 0 : i32
      %dma_start3A_253 = arith.constant 0 : i32
      %dma_start3A_254 = tpu.memref_slice %arg7[%dma_start3A_252, %dma_start3A_253] : memref<10000x128xf32, #tpu.memory_space<vmem_shared>> -> memref<10000x128xf32, #tpu.memory_space<vmem_shared>>
      tpu.enqueue_indirect_dma source(%dma_start3A_248 : memref<80x128xf32, #tpu.memory_space<vmem>>) target(%dma_start3A_254 : memref<10000x128xf32, #tpu.memory_space<vmem_shared>>) offsets(%dma_start3A_251 : memref<80xi32, #tpu.memory_space<vmem>>) semaphore(%arg9 : memref<!tpu.dma_semaphore, #tpu.memory_space<semaphore_mem>>) {add = true}
      %ge3A = arith.constant 1 : i32
      %ge3A_255 = arith.cmpi sge, %scan3A_223, %ge3A : i32
      %convert_element_type3A_256 = arith.extui %ge3A_255 : i1 to i32
      %cond3A_257 = arith.constant 0 : i32
      %cond3A_258 = arith.cmpi ne, %convert_element_type3A_256, %cond3A_257 : i32
      scf.if %cond3A_258 {
        %dma_wait3A_272 = arith.constant 0 : i32
        %dma_wait3A_273 = arith.constant 0 : i32
        %dma_wait3A_274 = arith.constant 1 : i32
        %dma_wait3A_275 = arith.constant 0 : i32
        %dma_wait3A_276 = arith.constant 0 : i32
        %dma_wait3A_277 = tpu.memref_slice %arg6[%dma_wait3A_272, %dma_wait3A_275, %dma_wait3A_276] : memref<4x80x128xf32, #tpu.memory_space<vmem>> -> memref<1x80x128xf32, #tpu.memory_space<vmem>>
        %dma_wait3A_278 = tpu.memref_squeeze %dma_wait3A_277 : memref<1x80x128xf32, #tpu.memory_space<vmem>> -> memref<80x128xf32, #tpu.memory_space<vmem>>
        %dma_wait3A_279 = arith.constant 0 : i32
        %dma_wait3A_280 = tpu.memref_slice %arg5[%dma_wait3A_273, %dma_wait3A_274, %dma_wait3A_279] : memref<5x2x80xi32, #tpu.memory_space<vmem>> -> memref<1x1x80xi32, #tpu.memory_space<vmem>>
        %dma_wait3A_281 = tpu.memref_squeeze %dma_wait3A_280 : memref<1x1x80xi32, #tpu.memory_space<vmem>> -> memref<80xi32, #tpu.memory_space<vmem>>
        %dma_wait3A_282 = arith.constant 0 : i32
        %dma_wait3A_283 = arith.constant 0 : i32
        %dma_wait3A_284 = tpu.memref_slice %arg7[%dma_wait3A_282, %dma_wait3A_283] : memref<10000x128xf32, #tpu.memory_space<vmem_shared>> -> memref<10000x128xf32, #tpu.memory_space<vmem_shared>>
        tpu.wait_indirect_dma semaphore(%arg9 : memref<!tpu.dma_semaphore, #tpu.memory_space<semaphore_mem>>) src(%dma_wait3A_278 : memref<80x128xf32, #tpu.memory_space<vmem>>) dst(%dma_wait3A_284 : memref<10000x128xf32, #tpu.memory_space<vmem_shared>>)
      } else {
      }
      %add3A = arith.constant 4 : i32
      %add3A_259 = arith.addi %scan3A_223, %add3A : i32
      %lt3A = arith.constant 125 : i32
      %lt3A_260 = arith.cmpi slt, %add3A_259, %lt3A : i32
      %convert_element_type3A_261 = arith.extui %lt3A_260 : i1 to i32
      %cond3A_262 = arith.constant 0 : i32
      %cond3A_263 = arith.cmpi ne, %convert_element_type3A_261, %cond3A_262 : i32
      scf.if %cond3A_263 {
        %add3A_272 = arith.constant 4 : i32
        %add3A_273 = arith.addi %scan3A_223, %add3A_272 : i32
        %rem3A_274 = arith.constant 5 : i32
        %rem3A_275 = arith.remsi %add3A_273, %rem3A_274 : i32
        %dma_start3A_276 = arith.constant 0 : i32
        %dma_start3A_277 = arith.constant 0 : i32
        %dma_start3A_278 = tpu.memref_slice %arg5[%rem3A_275, %dma_start3A_276, %dma_start3A_277] : memref<5x2x80xi32, #tpu.memory_space<vmem>> -> memref<1x2x80xi32, #tpu.memory_space<vmem>>
        %dma_start3A_279 = tpu.memref_squeeze %dma_start3A_278 : memref<1x2x80xi32, #tpu.memory_space<vmem>> -> memref<2x80xi32, #tpu.memory_space<vmem>>
        %dma_start3A_280 = arith.constant 0 : i32
        %dma_start3A_281 = arith.constant 0 : i32
        %dma_start3A_282 = tpu.memref_slice %arg3[%arg1, %add3A_273, %dma_start3A_280, %dma_start3A_281] : memref<16x125x2x80xi32, #tpu.memory_space<hbm>> -> memref<1x1x2x80xi32, #tpu.memory_space<hbm>>
        %dma_start3A_283 = tpu.memref_squeeze %dma_start3A_282 : memref<1x1x2x80xi32, #tpu.memory_space<hbm>> -> memref<2x80xi32, #tpu.memory_space<hbm>>
        %dma_start3A_284 = arith.constant 0 : i32
        %dma_start3A_285 = arith.constant 0 : i32
        %dma_start3A_286 = tpu.memref_slice %arg5[%rem3A_275, %dma_start3A_284, %dma_start3A_285] : memref<5x2x80xi32, #tpu.memory_space<vmem>> -> memref<1x2x80xi32, #tpu.memory_space<vmem>>
        %dma_start3A_287 = tpu.memref_squeeze %dma_start3A_286 : memref<1x2x80xi32, #tpu.memory_space<vmem>> -> memref<2x80xi32, #tpu.memory_space<vmem>>
        %dma_start3A_288 = arith.constant 0 : i32
        %dma_start3A_289 = arith.constant 0 : i32
        %dma_start3A_290 = tpu.memref_slice %arg3[%arg1, %add3A_273, %dma_start3A_288, %dma_start3A_289] : memref<16x125x2x80xi32, #tpu.memory_space<hbm>> -> memref<1x1x2x80xi32, #tpu.memory_space<hbm>>
        %dma_start3A_291 = tpu.memref_squeeze %dma_start3A_290 : memref<1x1x2x80xi32, #tpu.memory_space<hbm>> -> memref<2x80xi32, #tpu.memory_space<hbm>>
        tpu.enqueue_dma source(%dma_start3A_291 : memref<2x80xi32, #tpu.memory_space<hbm>>) target(%dma_start3A_287 : memref<2x80xi32, #tpu.memory_space<vmem>>) target_semaphore(%arg10 : memref<!tpu.dma_semaphore, #tpu.memory_space<semaphore_mem>>)
      } else {
      }
      %add3A_264 = arith.constant 4 : i32
      %add3A_265 = arith.addi %scan3A_223, %add3A_264 : i32
      %sub3A = arith.constant 1 : i32
      %sub3A_266 = arith.subi %add3A_265, %sub3A : i32
      %lt3A_267 = arith.constant 125 : i32
      %lt3A_268 = arith.cmpi slt, %sub3A_266, %lt3A_267 : i32
      %convert_element_type3A_269 = arith.extui %lt3A_268 : i1 to i32
      %cond3A_270 = arith.constant 0 : i32
      %cond3A_271 = arith.cmpi ne, %convert_element_type3A_269, %cond3A_270 : i32
      scf.if %cond3A_271 {
        %add3A_272 = arith.constant 4 : i32
        %add3A_273 = arith.addi %scan3A_223, %add3A_272 : i32
        %sub3A_274 = arith.constant 1 : i32
        %sub3A_275 = arith.subi %add3A_273, %sub3A_274 : i32
        %dma_wait3A_276 = arith.constant 0 : i32
        %dma_wait3A_277 = arith.constant 0 : i32
        %dma_wait3A_278 = arith.constant 0 : i32
        %dma_wait3A_279 = arith.constant 0 : i32
        %dma_wait3A_280 = tpu.memref_slice %arg5[%dma_wait3A_277, %dma_wait3A_278, %dma_wait3A_279] : memref<5x2x80xi32, #tpu.memory_space<vmem>> -> memref<1x2x80xi32, #tpu.memory_space<vmem>>
        %dma_wait3A_281 = tpu.memref_squeeze %dma_wait3A_280 : memref<1x2x80xi32, #tpu.memory_space<vmem>> -> memref<2x80xi32, #tpu.memory_space<vmem>>
        %dma_wait3A_282 = arith.constant 0 : i32
        %dma_wait3A_283 = arith.constant 0 : i32
        %dma_wait3A_284 = tpu.memref_slice %arg3[%arg1, %dma_wait3A_276, %dma_wait3A_282, %dma_wait3A_283] : memref<16x125x2x80xi32, #tpu.memory_space<hbm>> -> memref<1x1x2x80xi32, #tpu.memory_space<hbm>>
        %dma_wait3A_285 = tpu.memref_squeeze %dma_wait3A_284 : memref<1x1x2x80xi32, #tpu.memory_space<hbm>> -> memref<2x80xi32, #tpu.memory_space<hbm>>
        %dma_wait3A_286 = arith.constant 0 : i32
        %dma_wait3A_287 = arith.constant 0 : i32
        %dma_wait3A_288 = tpu.memref_slice %arg5[%dma_wait3A_277, %dma_wait3A_286, %dma_wait3A_287] : memref<5x2x80xi32, #tpu.memory_space<vmem>> -> memref<1x2x80xi32, #tpu.memory_space<vmem>>
        %dma_wait3A_289 = tpu.memref_squeeze %dma_wait3A_288 : memref<1x2x80xi32, #tpu.memory_space<vmem>> -> memref<2x80xi32, #tpu.memory_space<vmem>>
        %dma_wait3A_290 = arith.constant 0 : i32
        %dma_wait3A_291 = arith.constant 0 : i32
        %dma_wait3A_292 = tpu.memref_slice %arg3[%arg1, %dma_wait3A_276, %dma_wait3A_290, %dma_wait3A_291] : memref<16x125x2x80xi32, #tpu.memory_space<hbm>> -> memref<1x1x2x80xi32, #tpu.memory_space<hbm>>
        %dma_wait3A_293 = tpu.memref_squeeze %dma_wait3A_292 : memref<1x1x2x80xi32, #tpu.memory_space<hbm>> -> memref<2x80xi32, #tpu.memory_space<hbm>>
        tpu.wait_dma2 semaphore(%arg10 : memref<!tpu.dma_semaphore, #tpu.memory_space<semaphore_mem>>) src(%dma_wait3A_293 : memref<2x80xi32, #tpu.memory_space<hbm>>) dst(%dma_wait3A_289 : memref<2x80xi32, #tpu.memory_space<vmem>>)
        %rem3A_294 = arith.constant 5 : i32
        %rem3A_295 = arith.remsi %sub3A_275, %rem3A_294 : i32
        %rem3A_296 = arith.constant 4 : i32
        %rem3A_297 = arith.remsi %sub3A_275, %rem3A_296 : i32
        %dma_start3A_298 = arith.constant 0 : i32
        %dma_start3A_299 = arith.constant 0 : i32
        %dma_start3A_300 = arith.constant 0 : i32
        %dma_start3A_301 = tpu.memref_slice %arg6[%rem3A_297, %dma_start3A_299, %dma_start3A_300] : memref<4x80x128xf32, #tpu.memory_space<vmem>> -> memref<1x80x128xf32, #tpu.memory_space<vmem>>
        %dma_start3A_302 = tpu.memref_squeeze %dma_start3A_301 : memref<1x80x128xf32, #tpu.memory_space<vmem>> -> memref<80x128xf32, #tpu.memory_space<vmem>>
        %dma_start3A_303 = arith.constant 0 : i32
        %dma_start3A_304 = tpu.memref_slice %arg5[%rem3A_295, %dma_start3A_298, %dma_start3A_303] : memref<5x2x80xi32, #tpu.memory_space<vmem>> -> memref<1x1x80xi32, #tpu.memory_space<vmem>>
        %dma_start3A_305 = tpu.memref_squeeze %dma_start3A_304 : memref<1x1x80xi32, #tpu.memory_space<vmem>> -> memref<80xi32, #tpu.memory_space<vmem>>
        %dma_start3A_306 = arith.constant 0 : i32
        %dma_start3A_307 = arith.constant 0 : i32
        %dma_start3A_308 = tpu.memref_slice %arg2[%arg0, %dma_start3A_306, %dma_start3A_307] : memref<2x10000x128xf32, #tpu.memory_space<hbm>> -> memref<1x10000x128xf32, #tpu.memory_space<hbm>>
        %dma_start3A_309 = tpu.memref_squeeze %dma_start3A_308 : memref<1x10000x128xf32, #tpu.memory_space<hbm>> -> memref<10000x128xf32, #tpu.memory_space<hbm>>
        %dma_start3A_310 = arith.constant 0 : i32
        %dma_start3A_311 = arith.constant 0 : i32
        %dma_start3A_312 = tpu.memref_slice %dma_start3A_309[%dma_start3A_310, %dma_start3A_311] : memref<10000x128xf32, #tpu.memory_space<hbm>> -> memref<10000x128xf32, #tpu.memory_space<hbm>>
        tpu.enqueue_indirect_dma source(%dma_start3A_312 : memref<10000x128xf32, #tpu.memory_space<hbm>>) target(%dma_start3A_302 : memref<80x128xf32, #tpu.memory_space<vmem>>) offsets(%dma_start3A_305 : memref<80xi32, #tpu.memory_space<vmem>>) semaphore(%arg8 : memref<!tpu.dma_semaphore, #tpu.memory_space<semaphore_mem>>)
      } else {
      }
    }
    %scan3A_199 = arith.constant 125 : i32
    %dma_wait3A_200 = arith.constant 0 : i32
    %dma_wait3A_201 = arith.constant 0 : i32
    %dma_wait3A_202 = arith.constant 1 : i32
    %dma_wait3A_203 = arith.constant 0 : i32
    %dma_wait3A_204 = arith.constant 0 : i32
    %dma_wait3A_205 = tpu.memref_slice %arg6[%dma_wait3A_200, %dma_wait3A_203, %dma_wait3A_204] : memref<4x80x128xf32, #tpu.memory_space<vmem>> -> memref<1x80x128xf32, #tpu.memory_space<vmem>>
    %dma_wait3A_206 = tpu.memref_squeeze %dma_wait3A_205 : memref<1x80x128xf32, #tpu.memory_space<vmem>> -> memref<80x128xf32, #tpu.memory_space<vmem>>
    %dma_wait3A_207 = arith.constant 0 : i32
    %dma_wait3A_208 = tpu.memref_slice %arg5[%dma_wait3A_201, %dma_wait3A_202, %dma_wait3A_207] : memref<5x2x80xi32, #tpu.memory_space<vmem>> -> memref<1x1x80xi32, #tpu.memory_space<vmem>>
    %dma_wait3A_209 = tpu.memref_squeeze %dma_wait3A_208 : memref<1x1x80xi32, #tpu.memory_space<vmem>> -> memref<80xi32, #tpu.memory_space<vmem>>
    %dma_wait3A_210 = arith.constant 0 : i32
    %dma_wait3A_211 = arith.constant 0 : i32
    %dma_wait3A_212 = tpu.memref_slice %arg7[%dma_wait3A_210, %dma_wait3A_211] : memref<10000x128xf32, #tpu.memory_space<vmem_shared>> -> memref<10000x128xf32, #tpu.memory_space<vmem_shared>>
    tpu.wait_indirect_dma semaphore(%arg9 : memref<!tpu.dma_semaphore, #tpu.memory_space<semaphore_mem>>) src(%dma_wait3A_206 : memref<80x128xf32, #tpu.memory_space<vmem>>) dst(%dma_wait3A_212 : memref<10000x128xf32, #tpu.memory_space<vmem_shared>>)
    %barrier3A_213 = arith.constant 0 : index
    tpu.barrier barrier_id(%barrier3A_213)
    %mul3A_214 = arith.constant 624 : i32
    %mul3A_215 = arith.muli %arg1, %mul3A_214 : i32
    %mul3A_216 = arith.constant 624 : i32
    %mul3A_217 = arith.muli %arg1, %mul3A_216 : i32
    "tpu.region"() ({
      %run_scoped3A = tpu.sem_alloc : memref<!tpu.dma_semaphore, #tpu.memory_space<semaphore_mem>>
      %dma_start3A_223 = arith.constant 0 : i32
      %dma_start3A_224 = tpu.memref_slice %arg4[%arg0, %mul3A_217, %dma_start3A_223] : memref<2x10000x128xf32, #tpu.memory_space<hbm>> -> memref<1x624x128xf32, #tpu.memory_space<hbm>>
      %dma_start3A_225 = tpu.memref_squeeze %dma_start3A_224 : memref<1x624x128xf32, #tpu.memory_space<hbm>> -> memref<624x128xf32, #tpu.memory_space<hbm>>
      %dma_start3A_226 = arith.constant 0 : i32
      %dma_start3A_227 = tpu.memref_slice %arg7[%mul3A_215, %dma_start3A_226] : memref<10000x128xf32, #tpu.memory_space<vmem_shared>> -> memref<624x128xf32, #tpu.memory_space<vmem_shared>>
      tpu.enqueue_dma source(%dma_start3A_227 : memref<624x128xf32, #tpu.memory_space<vmem_shared>>) target(%dma_start3A_225 : memref<624x128xf32, #tpu.memory_space<hbm>>) target_semaphore(%run_scoped3A : memref<!tpu.dma_semaphore, #tpu.memory_space<semaphore_mem>>)
      %dma_wait3A_228 = arith.constant 0 : i32
      %dma_wait3A_229 = tpu.memref_slice %arg4[%arg0, %mul3A_217, %dma_wait3A_228] : memref<2x10000x128xf32, #tpu.memory_space<hbm>> -> memref<1x624x128xf32, #tpu.memory_space<hbm>>
      %dma_wait3A_230 = tpu.memref_squeeze %dma_wait3A_229 : memref<1x624x128xf32, #tpu.memory_space<hbm>> -> memref<624x128xf32, #tpu.memory_space<hbm>>
      %dma_wait3A_231 = arith.constant 0 : i32
      %dma_wait3A_232 = tpu.memref_slice %arg7[%mul3A_215, %dma_wait3A_231] : memref<10000x128xf32, #tpu.memory_space<vmem_shared>> -> memref<624x128xf32, #tpu.memory_space<vmem_shared>>
      tpu.wait_dma2 semaphore(%run_scoped3A : memref<!tpu.dma_semaphore, #tpu.memory_space<semaphore_mem>>) src(%dma_wait3A_232 : memref<624x128xf32, #tpu.memory_space<vmem_shared>>) dst(%dma_wait3A_230 : memref<624x128xf32, #tpu.memory_space<hbm>>)
      tpu.yield
    }) : () -> ()
    %eq3A_218 = arith.constant 0 : i32
    %eq3A_219 = arith.cmpi eq, %arg1, %eq3A_218 : i32
    %convert_element_type3A_220 = arith.extui %eq3A_219 : i1 to i32
    %cond3A_221 = arith.constant 0 : i32
    %cond3A_222 = arith.cmpi ne, %convert_element_type3A_220, %cond3A_221 : i32
    scf.if %cond3A_222 {
      "tpu.region"() ({
        %run_scoped3A = tpu.sem_alloc : memref<!tpu.dma_semaphore, #tpu.memory_space<semaphore_mem>>
        %dma_start3A_223 = arith.constant 9984 : i32
        %dma_start3A_224 = arith.constant 0 : i32
        %dma_start3A_225 = tpu.memref_slice %arg4[%arg0, %dma_start3A_223, %dma_start3A_224] : memref<2x10000x128xf32, #tpu.memory_space<hbm>> -> memref<1x16x128xf32, #tpu.memory_space<hbm>>
        %dma_start3A_226 = tpu.memref_squeeze %dma_start3A_225 : memref<1x16x128xf32, #tpu.memory_space<hbm>> -> memref<16x128xf32, #tpu.memory_space<hbm>>
        %dma_start3A_227 = arith.constant 9984 : i32
        %dma_start3A_228 = arith.constant 0 : i32
        %dma_start3A_229 = tpu.memref_slice %arg7[%dma_start3A_227, %dma_start3A_228] : memref<10000x128xf32, #tpu.memory_space<vmem_shared>> -> memref<16x128xf32, #tpu.memory_space<vmem_shared>>
        tpu.enqueue_dma source(%dma_start3A_229 : memref<16x128xf32, #tpu.memory_space<vmem_shared>>) target(%dma_start3A_226 : memref<16x128xf32, #tpu.memory_space<hbm>>) target_semaphore(%run_scoped3A : memref<!tpu.dma_semaphore, #tpu.memory_space<semaphore_mem>>)
        %dma_wait3A_230 = arith.constant 9984 : i32
        %dma_wait3A_231 = arith.constant 0 : i32
        %dma_wait3A_232 = tpu.memref_slice %arg4[%arg0, %dma_wait3A_230, %dma_wait3A_231] : memref<2x10000x128xf32, #tpu.memory_space<hbm>> -> memref<1x16x128xf32, #tpu.memory_space<hbm>>
        %dma_wait3A_233 = tpu.memref_squeeze %dma_wait3A_232 : memref<1x16x128xf32, #tpu.memory_space<hbm>> -> memref<16x128xf32, #tpu.memory_space<hbm>>
        %dma_wait3A_234 = arith.constant 9984 : i32
        %dma_wait3A_235 = arith.constant 0 : i32
        %dma_wait3A_236 = tpu.memref_slice %arg7[%dma_wait3A_234, %dma_wait3A_235] : memref<10000x128xf32, #tpu.memory_space<vmem_shared>> -> memref<16x128xf32, #tpu.memory_space<vmem_shared>>
        tpu.wait_dma2 semaphore(%run_scoped3A : memref<!tpu.dma_semaphore, #tpu.memory_space<semaphore_mem>>) src(%dma_wait3A_236 : memref<16x128xf32, #tpu.memory_space<vmem_shared>>) dst(%dma_wait3A_233 : memref<16x128xf32, #tpu.memory_space<hbm>>)
        tpu.yield
      }) : () -> ()
    } else {
    }
    return
  }
}

#map = affine_map<(d0, d1) -> (0, 0, 0, 0)>
#map1 = affine_map<(d0, d1) -> (0)>
#map2 = affine_map<(d0, d1) -> (0, 0)>
module attributes {stable_mosaic.version = 14 : i64} {
  func.func @_deg_body(%arg0: i32, %arg1: i32, %arg2: memref<2x16x40x125xi32, #tpu.memory_space<hbm>>, %arg3: memref<125xf32, #tpu.memory_space<hbm>>, %arg4: memref<10000xf32, #tpu.memory_space<hbm>>, %arg5: memref<2x10000xf32, #tpu.memory_space<hbm>>, %arg6: memref<40x125xi32, #tpu.memory_space<vmem>>, %arg7: memref<125xf32, #tpu.memory_space<vmem>>, %arg8: memref<10000xf32, #tpu.memory_space<vmem_shared>>, %arg9: memref<!tpu.dma_semaphore, #tpu.memory_space<semaphore_mem>>) attributes {dimension_semantics = [#tpu.dimension_semantics<core_parallel>, #tpu.dimension_semantics<subcore_parallel>], iteration_bounds = array<i64: 2, 16>, scalar_prefetch = 0 : i64, scratch_operands = 4 : i64, tpu.core_type = #tpu.core_type<sc_vector_subcore>, window_params = [{transform_indices = #map}, {transform_indices = #map1}, {transform_indices = #map1}, {transform_indices = #map2}]} {
    "tpu.region"() ({
      %run_scoped3A = tpu.sem_alloc : memref<!tpu.dma_semaphore, #tpu.memory_space<semaphore_mem>>
      %dma_start3A_36 = arith.constant 0 : i32
      %dma_start3A_37 = arith.constant 0 : i32
      %dma_start3A_38 = tpu.memref_slice %arg2[%arg0, %arg1, %dma_start3A_36, %dma_start3A_37] : memref<2x16x40x125xi32, #tpu.memory_space<hbm>> -> memref<1x1x40x125xi32, #tpu.memory_space<hbm>>
      %dma_start3A_39 = tpu.memref_squeeze %dma_start3A_38 : memref<1x1x40x125xi32, #tpu.memory_space<hbm>> -> memref<40x125xi32, #tpu.memory_space<hbm>>
      %dma_start3A_40 = arith.constant 0 : i32
      %dma_start3A_41 = arith.constant 0 : i32
      %dma_start3A_42 = tpu.memref_slice %arg2[%arg0, %arg1, %dma_start3A_40, %dma_start3A_41] : memref<2x16x40x125xi32, #tpu.memory_space<hbm>> -> memref<1x1x40x125xi32, #tpu.memory_space<hbm>>
      %dma_start3A_43 = tpu.memref_squeeze %dma_start3A_42 : memref<1x1x40x125xi32, #tpu.memory_space<hbm>> -> memref<40x125xi32, #tpu.memory_space<hbm>>
      tpu.enqueue_dma source(%dma_start3A_43 : memref<40x125xi32, #tpu.memory_space<hbm>>) target(%arg6 : memref<40x125xi32, #tpu.memory_space<vmem>>) target_semaphore(%run_scoped3A : memref<!tpu.dma_semaphore, #tpu.memory_space<semaphore_mem>>)
      %dma_wait3A = arith.constant 0 : i32
      %dma_wait3A_44 = arith.constant 0 : i32
      %dma_wait3A_45 = tpu.memref_slice %arg2[%arg0, %arg1, %dma_wait3A, %dma_wait3A_44] : memref<2x16x40x125xi32, #tpu.memory_space<hbm>> -> memref<1x1x40x125xi32, #tpu.memory_space<hbm>>
      %dma_wait3A_46 = tpu.memref_squeeze %dma_wait3A_45 : memref<1x1x40x125xi32, #tpu.memory_space<hbm>> -> memref<40x125xi32, #tpu.memory_space<hbm>>
      %dma_wait3A_47 = arith.constant 0 : i32
      %dma_wait3A_48 = arith.constant 0 : i32
      %dma_wait3A_49 = tpu.memref_slice %arg2[%arg0, %arg1, %dma_wait3A_47, %dma_wait3A_48] : memref<2x16x40x125xi32, #tpu.memory_space<hbm>> -> memref<1x1x40x125xi32, #tpu.memory_space<hbm>>
      %dma_wait3A_50 = tpu.memref_squeeze %dma_wait3A_49 : memref<1x1x40x125xi32, #tpu.memory_space<hbm>> -> memref<40x125xi32, #tpu.memory_space<hbm>>
      tpu.wait_dma2 semaphore(%run_scoped3A : memref<!tpu.dma_semaphore, #tpu.memory_space<semaphore_mem>>) src(%dma_wait3A_50 : memref<40x125xi32, #tpu.memory_space<hbm>>) dst(%arg6 : memref<40x125xi32, #tpu.memory_space<vmem>>)
      tpu.yield
    }) : () -> ()
    "tpu.region"() ({
      %run_scoped3A = tpu.sem_alloc : memref<!tpu.dma_semaphore, #tpu.memory_space<semaphore_mem>>
      tpu.enqueue_dma source(%arg3 : memref<125xf32, #tpu.memory_space<hbm>>) target(%arg7 : memref<125xf32, #tpu.memory_space<vmem>>) target_semaphore(%run_scoped3A : memref<!tpu.dma_semaphore, #tpu.memory_space<semaphore_mem>>)
      tpu.wait_dma2 semaphore(%run_scoped3A : memref<!tpu.dma_semaphore, #tpu.memory_space<semaphore_mem>>) src(%arg3 : memref<125xf32, #tpu.memory_space<hbm>>) dst(%arg7 : memref<125xf32, #tpu.memory_space<vmem>>)
      tpu.yield
    }) : () -> ()
    %eq3A = arith.constant 0 : i32
    %eq3A_0 = arith.cmpi eq, %arg1, %eq3A : i32
    %convert_element_type3A = arith.extui %eq3A_0 : i1 to i32
    %cond3A = arith.constant 0 : i32
    %cond3A_1 = arith.cmpi ne, %convert_element_type3A, %cond3A : i32
    scf.if %cond3A_1 {
      "tpu.region"() ({
        %run_scoped3A = tpu.sem_alloc : memref<!tpu.dma_semaphore, #tpu.memory_space<semaphore_mem>>
        tpu.enqueue_dma source(%arg4 : memref<10000xf32, #tpu.memory_space<hbm>>) target(%arg8 : memref<10000xf32, #tpu.memory_space<vmem_shared>>) target_semaphore(%run_scoped3A : memref<!tpu.dma_semaphore, #tpu.memory_space<semaphore_mem>>)
        tpu.wait_dma2 semaphore(%run_scoped3A : memref<!tpu.dma_semaphore, #tpu.memory_space<semaphore_mem>>) src(%arg4 : memref<10000xf32, #tpu.memory_space<hbm>>) dst(%arg8 : memref<10000xf32, #tpu.memory_space<vmem_shared>>)
        tpu.yield
      }) : () -> ()
    } else {
    }
    %barrier3A = arith.constant 0 : index
    tpu.barrier barrier_id(%barrier3A)
    %dma_start3A = arith.constant 0 : i32
    %dma_start3A_2 = arith.constant 0 : i32
    %dma_start3A_3 = tpu.memref_slice %arg6[%dma_start3A, %dma_start3A_2] : memref<40x125xi32, #tpu.memory_space<vmem>> -> memref<1x125xi32, #tpu.memory_space<vmem>>
    %dma_start3A_4 = tpu.memref_squeeze %dma_start3A_3 : memref<1x125xi32, #tpu.memory_space<vmem>> -> memref<125xi32, #tpu.memory_space<vmem>>
    %dma_start3A_5 = arith.constant 0 : i32
    %dma_start3A_6 = tpu.memref_slice %arg8[%dma_start3A_5] : memref<10000xf32, #tpu.memory_space<vmem_shared>> -> memref<10000xf32, #tpu.memory_space<vmem_shared>>
    tpu.enqueue_indirect_dma source(%arg7 : memref<125xf32, #tpu.memory_space<vmem>>) target(%dma_start3A_6 : memref<10000xf32, #tpu.memory_space<vmem_shared>>) offsets(%dma_start3A_4 : memref<125xi32, #tpu.memory_space<vmem>>) semaphore(%arg9 : memref<!tpu.dma_semaphore, #tpu.memory_space<semaphore_mem>>) {add = true}
    %dma_start3A_7 = arith.constant 1 : i32
    %dma_start3A_8 = arith.constant 0 : i32
    %dma_start3A_9 = tpu.memref_slice %arg6[%dma_start3A_7, %dma_start3A_8] : memref<40x125xi32, #tpu.memory_space<vmem>> -> memref<1x125xi32, #tpu.memory_space<vmem>>
    %dma_start3A_10 = tpu.memref_squeeze %dma_start3A_9 : memref<1x125xi32, #tpu.memory_space<vmem>> -> memref<125xi32, #tpu.memory_space<vmem>>
    %dma_start3A_11 = arith.constant 0 : i32
    %dma_start3A_12 = tpu.memref_slice %arg8[%dma_start3A_11] : memref<10000xf32, #tpu.memory_space<vmem_shared>> -> memref<10000xf32, #tpu.memory_space<vmem_shared>>
    tpu.enqueue_indirect_dma source(%arg7 : memref<125xf32, #tpu.memory_space<vmem>>) target(%dma_start3A_12 : memref<10000xf32, #tpu.memory_space<vmem_shared>>) offsets(%dma_start3A_10 : memref<125xi32, #tpu.memory_space<vmem>>) semaphore(%arg9 : memref<!tpu.dma_semaphore, #tpu.memory_space<semaphore_mem>>) {add = true}
    %dma_start3A_13 = arith.constant 2 : i32
    %dma_start3A_14 = arith.constant 0 : i32
    %dma_start3A_15 = tpu.memref_slice %arg6[%dma_start3A_13, %dma_start3A_14] : memref<40x125xi32, #tpu.memory_space<vmem>> -> memref<1x125xi32, #tpu.memory_space<vmem>>
    %dma_start3A_16 = tpu.memref_squeeze %dma_start3A_15 : memref<1x125xi32, #tpu.memory_space<vmem>> -> memref<125xi32, #tpu.memory_space<vmem>>
    %dma_start3A_17 = arith.constant 0 : i32
    %dma_start3A_18 = tpu.memref_slice %arg8[%dma_start3A_17] : memref<10000xf32, #tpu.memory_space<vmem_shared>> -> memref<10000xf32, #tpu.memory_space<vmem_shared>>
    tpu.enqueue_indirect_dma source(%arg7 : memref<125xf32, #tpu.memory_space<vmem>>) target(%dma_start3A_18 : memref<10000xf32, #tpu.memory_space<vmem_shared>>) offsets(%dma_start3A_16 : memref<125xi32, #tpu.memory_space<vmem>>) semaphore(%arg9 : memref<!tpu.dma_semaphore, #tpu.memory_space<semaphore_mem>>) {add = true}
    %dma_start3A_19 = arith.constant 3 : i32
    %dma_start3A_20 = arith.constant 0 : i32
    %dma_start3A_21 = tpu.memref_slice %arg6[%dma_start3A_19, %dma_start3A_20] : memref<40x125xi32, #tpu.memory_space<vmem>> -> memref<1x125xi32, #tpu.memory_space<vmem>>
    %dma_start3A_22 = tpu.memref_squeeze %dma_start3A_21 : memref<1x125xi32, #tpu.memory_space<vmem>> -> memref<125xi32, #tpu.memory_space<vmem>>
    %dma_start3A_23 = arith.constant 0 : i32
    %dma_start3A_24 = tpu.memref_slice %arg8[%dma_start3A_23] : memref<10000xf32, #tpu.memory_space<vmem_shared>> -> memref<10000xf32, #tpu.memory_space<vmem_shared>>
    tpu.enqueue_indirect_dma source(%arg7 : memref<125xf32, #tpu.memory_space<vmem>>) target(%dma_start3A_24 : memref<10000xf32, #tpu.memory_space<vmem_shared>>) offsets(%dma_start3A_22 : memref<125xi32, #tpu.memory_space<vmem>>) semaphore(%arg9 : memref<!tpu.dma_semaphore, #tpu.memory_space<semaphore_mem>>) {add = true}
    %scan3A = arith.constant 0 : i32
    %scan3A_25 = arith.constant 0 : i32
    %scan3A_26 = arith.constant 40 : i32
    %scan3A_27 = arith.addi %scan3A_25, %scan3A_26 : i32
    %scan3A_28 = arith.constant 1 : i32
    scf.for %scan3A_36 = %scan3A_25 to %scan3A_27 step %scan3A_28  : i32 {
      %dma_wait3A = arith.constant 0 : i32
      %dma_wait3A_37 = arith.constant 0 : i32
      %dma_wait3A_38 = tpu.memref_slice %arg6[%dma_wait3A, %dma_wait3A_37] : memref<40x125xi32, #tpu.memory_space<vmem>> -> memref<1x125xi32, #tpu.memory_space<vmem>>
      %dma_wait3A_39 = tpu.memref_squeeze %dma_wait3A_38 : memref<1x125xi32, #tpu.memory_space<vmem>> -> memref<125xi32, #tpu.memory_space<vmem>>
      %dma_wait3A_40 = arith.constant 0 : i32
      %dma_wait3A_41 = tpu.memref_slice %arg8[%dma_wait3A_40] : memref<10000xf32, #tpu.memory_space<vmem_shared>> -> memref<10000xf32, #tpu.memory_space<vmem_shared>>
      tpu.wait_indirect_dma semaphore(%arg9 : memref<!tpu.dma_semaphore, #tpu.memory_space<semaphore_mem>>) src(%arg7 : memref<125xf32, #tpu.memory_space<vmem>>) dst(%dma_wait3A_41 : memref<10000xf32, #tpu.memory_space<vmem_shared>>)
      %add3A = arith.constant 4 : i32
      %add3A_42 = arith.addi %scan3A_36, %add3A : i32
      %lt3A = arith.constant 40 : i32
      %lt3A_43 = arith.cmpi slt, %add3A_42, %lt3A : i32
      %convert_element_type3A_44 = arith.extui %lt3A_43 : i1 to i32
      %cond3A_45 = arith.constant 0 : i32
      %cond3A_46 = arith.cmpi ne, %convert_element_type3A_44, %cond3A_45 : i32
      scf.if %cond3A_46 {
        %add3A_47 = arith.constant 4 : i32
        %add3A_48 = arith.addi %scan3A_36, %add3A_47 : i32
        %dma_start3A_49 = arith.constant 0 : i32
        %dma_start3A_50 = tpu.memref_slice %arg6[%add3A_48, %dma_start3A_49] : memref<40x125xi32, #tpu.memory_space<vmem>> -> memref<1x125xi32, #tpu.memory_space<vmem>>
        %dma_start3A_51 = tpu.memref_squeeze %dma_start3A_50 : memref<1x125xi32, #tpu.memory_space<vmem>> -> memref<125xi32, #tpu.memory_space<vmem>>
        %dma_start3A_52 = arith.constant 0 : i32
        %dma_start3A_53 = tpu.memref_slice %arg8[%dma_start3A_52] : memref<10000xf32, #tpu.memory_space<vmem_shared>> -> memref<10000xf32, #tpu.memory_space<vmem_shared>>
        tpu.enqueue_indirect_dma source(%arg7 : memref<125xf32, #tpu.memory_space<vmem>>) target(%dma_start3A_53 : memref<10000xf32, #tpu.memory_space<vmem_shared>>) offsets(%dma_start3A_51 : memref<125xi32, #tpu.memory_space<vmem>>) semaphore(%arg9 : memref<!tpu.dma_semaphore, #tpu.memory_space<semaphore_mem>>) {add = true}
      } else {
      }
    }
    %scan3A_29 = arith.constant 40 : i32
    %barrier3A_30 = arith.constant 0 : index
    tpu.barrier barrier_id(%barrier3A_30)
    %eq3A_31 = arith.constant 0 : i32
    %eq3A_32 = arith.cmpi eq, %arg1, %eq3A_31 : i32
    %convert_element_type3A_33 = arith.extui %eq3A_32 : i1 to i32
    %cond3A_34 = arith.constant 0 : i32
    %cond3A_35 = arith.cmpi ne, %convert_element_type3A_33, %cond3A_34 : i32
    scf.if %cond3A_35 {
      "tpu.region"() ({
        %run_scoped3A = tpu.sem_alloc : memref<!tpu.dma_semaphore, #tpu.memory_space<semaphore_mem>>
        %dma_start3A_36 = arith.constant 0 : i32
        %dma_start3A_37 = tpu.memref_slice %arg5[%arg0, %dma_start3A_36] : memref<2x10000xf32, #tpu.memory_space<hbm>> -> memref<1x10000xf32, #tpu.memory_space<hbm>>
        %dma_start3A_38 = tpu.memref_squeeze %dma_start3A_37 : memref<1x10000xf32, #tpu.memory_space<hbm>> -> memref<10000xf32, #tpu.memory_space<hbm>>
        tpu.enqueue_dma source(%arg8 : memref<10000xf32, #tpu.memory_space<vmem_shared>>) target(%dma_start3A_38 : memref<10000xf32, #tpu.memory_space<hbm>>) target_semaphore(%run_scoped3A : memref<!tpu.dma_semaphore, #tpu.memory_space<semaphore_mem>>)
        %dma_wait3A = arith.constant 0 : i32
        %dma_wait3A_39 = tpu.memref_slice %arg5[%arg0, %dma_wait3A] : memref<2x10000xf32, #tpu.memory_space<hbm>> -> memref<1x10000xf32, #tpu.memory_space<hbm>>
        %dma_wait3A_40 = tpu.memref_squeeze %dma_wait3A_39 : memref<1x10000xf32, #tpu.memory_space<hbm>> -> memref<10000xf32, #tpu.memory_space<hbm>>
        tpu.wait_dma2 semaphore(%run_scoped3A : memref<!tpu.dma_semaphore, #tpu.memory_space<semaphore_mem>>) src(%arg8 : memref<10000xf32, #tpu.memory_space<vmem_shared>>) dst(%dma_wait3A_40 : memref<10000xf32, #tpu.memory_space<hbm>>)
        tpu.yield
      }) : () -> ()
    } else {
    }
    return
  }
}

module attributes {stable_mosaic.version = 14 : i64} {
  func.func @_mmscale_body(%arg0: i32, %arg1: memref<2000x256xf32, #tpu.memory_space<vmem>>, %arg2: memref<256x256xf32, #tpu.memory_space<vmem>>, %arg3: memref<1x2x2000xf32, #tpu.memory_space<vmem>>, %arg4: memref<2x2000x128xf32, #tpu.memory_space<vmem>>) attributes {dimension_semantics = [#tpu.dimension_semantics<arbitrary>], iteration_bounds = array<i64: 5>, scalar_prefetch = 0 : i64, scratch_operands = 0 : i64, tpu.core_type = #tpu.core_type<tc>, window_params = [{transform_indices = @transform_0, window_bounds = array<i64: 2000, 256>}, {pipeline_mode = #tpu.pipeline_mode<synchronous>, transform_indices = @transform_1, window_bounds = array<i64: 256, 256>}, {transform_indices = @transform_2, window_bounds = array<i64: 1, 2, 2000>}, {transform_indices = @transform_3, window_bounds = array<i64: 2, 2000, 128>}]} {
    %get3A = arith.constant 0 : index
    %get3A_0 = arith.constant 0 : index
    %get3A_1 = arith.constant 0 : index
    %get3A_2 = vector.load %arg3[%get3A, %get3A_0, %get3A_1] : memref<1x2x2000xf32, #tpu.memory_space<vmem>>, vector<1x2x2000xf32>
    %slice3A = vector.extract_strided_slice %get3A_2 {offsets = [0, 0, 0], sizes = [1, 1, 2000], strides = [1, 1, 1]} : vector<1x2x2000xf32> to vector<1x1x2000xf32>
    %squeeze3A = vector.shape_cast %slice3A : vector<1x1x2000xf32> to vector<2000xf32>
    %slice3A_3 = vector.extract_strided_slice %get3A_2 {offsets = [0, 1, 0], sizes = [1, 1, 2000], strides = [1, 1, 1]} : vector<1x2x2000xf32> to vector<1x1x2000xf32>
    %squeeze3A_4 = vector.shape_cast %slice3A_3 : vector<1x1x2000xf32> to vector<2000xf32>
    %add3A = arith.addf %squeeze3A, %squeeze3A_4 : vector<2000xf32>
    %add3A_5 = arith.constant 1.000000e+00 : f32
    %add3A_6 = vector.broadcast %add3A_5 : f32 to vector<2000xf32>
    %add3A_7 = arith.addf %add3A, %add3A_6 : vector<2000xf32>
    %rsqrt3A = math.rsqrt %add3A_7 : vector<2000xf32>
    %get3A_8 = arith.constant 0 : index
    %get3A_9 = arith.constant 0 : index
    %get3A_10 = vector.load %arg1[%get3A_8, %get3A_9] : memref<2000x256xf32, #tpu.memory_space<vmem>>, vector<2000x256xf32>
    %get3A_11 = arith.constant 0 : index
    %get3A_12 = arith.constant 0 : index
    %get3A_13 = vector.load %arg2[%get3A_11, %get3A_12] : memref<256x256xf32, #tpu.memory_space<vmem>>, vector<256x256xf32>
    %dot_general3A = arith.constant dense<0.000000e+00> : vector<2000x256xf32>
    %dot_general3A_14 = tpu.matmul %get3A_10, %get3A_13, %dot_general3A {dimension_numbers = #tpu.dot_dimension_numbers<[1], [0], [0], [1], [0, 0, 1, 1], [], []>, transpose_lhs_hint = false} : vector<2000x256xf32>, vector<256x256xf32>, vector<2000x256xf32> -> vector<2000x256xf32>
    %broadcast_in_dim3A = vector.shape_cast %rsqrt3A : vector<2000xf32> to vector<2000x1xf32>
    %mul3A = vector.broadcast %broadcast_in_dim3A : vector<2000x1xf32> to vector<2000x256xf32>
    %mul3A_15 = arith.mulf %dot_general3A_14, %mul3A : vector<2000x256xf32>
    %slice3A_16 = vector.extract_strided_slice %mul3A_15 {offsets = [0, 0], sizes = [2000, 128], strides = [1, 1]} : vector<2000x256xf32> to vector<2000x128xf32>
    %swap3A = arith.constant 0 : index
    %swap3A_17 = arith.constant 0 : index
    %swap3A_18 = arith.constant 0 : index
    %swap3A_19 = vector.load %arg4[%swap3A, %swap3A_17, %swap3A_18] : memref<2x2000x128xf32, #tpu.memory_space<vmem>>, vector<1x2000x128xf32>
    %swap3A_20 = vector.shape_cast %swap3A_19 : vector<1x2000x128xf32> to vector<2000x128xf32>
    %swap3A_21 = vector.shape_cast %slice3A_16 : vector<2000x128xf32> to vector<1x2000x128xf32>
    tpu.vector_store %arg4[%swap3A, %swap3A_17, %swap3A_18], %swap3A_21 {strides = array<i32>} : memref<2x2000x128xf32, #tpu.memory_space<vmem>>, vector<1x2000x128xf32>,
    %slice3A_22 = vector.extract_strided_slice %mul3A_15 {offsets = [0, 128], sizes = [2000, 128], strides = [1, 1]} : vector<2000x256xf32> to vector<2000x128xf32>
    %swap3A_23 = arith.constant 1 : index
    %swap3A_24 = arith.constant 0 : index
    %swap3A_25 = arith.constant 0 : index
    %swap3A_26 = vector.load %arg4[%swap3A_23, %swap3A_24, %swap3A_25] : memref<2x2000x128xf32, #tpu.memory_space<vmem>>, vector<1x2000x128xf32>
    %swap3A_27 = vector.shape_cast %swap3A_26 : vector<1x2000x128xf32> to vector<2000x128xf32>
    %swap3A_28 = vector.shape_cast %slice3A_22 : vector<2000x128xf32> to vector<1x2000x128xf32>
    tpu.vector_store %arg4[%swap3A_23, %swap3A_24, %swap3A_25], %swap3A_28 {strides = array<i32>} : memref<2x2000x128xf32, #tpu.memory_space<vmem>>, vector<1x2000x128xf32>,
    return
  }
  func.func @transform_0(%arg0: i32) -> (i32, i32) {
    %c0_i32 = arith.constant 0 : i32
    %c0_i32_0 = arith.constant 0 : i32
    return %arg0, %c0_i32 : i32, i32
  }
  func.func @transform_1(%arg0: i32) -> (i32, i32) {
    %c0_i32 = arith.constant 0 : i32
    %c0_i32_0 = arith.constant 0 : i32
    %c0_i32_1 = arith.constant 0 : i32
    return %c0_i32, %c0_i32_0 : i32, i32
  }
  func.func @transform_2(%arg0: i32) -> (i32, i32, i32) {
    %c0_i32 = arith.constant 0 : i32
    %c0_i32_0 = arith.constant 0 : i32
    %c0_i32_1 = arith.constant 0 : i32
    return %arg0, %c0_i32, %c0_i32_0 : i32, i32, i32
  }
  func.func @transform_3(%arg0: i32) -> (i32, i32, i32) {
    %c0_i32 = arith.constant 0 : i32
    %c0_i32_0 = arith.constant 0 : i32
    %c0_i32_1 = arith.constant 0 : i32
    return %c0_i32, %arg0, %c0_i32_0 : i32, i32, i32
  }
}

module attributes {stable_mosaic.version = 14 : i64} {
  func.func @_final_body(%arg0: i32, %arg1: memref<2x2000x128xf32, #tpu.memory_space<vmem>>, %arg2: memref<1x2x2000xf32, #tpu.memory_space<vmem>>, %arg3: memref<1x256xf32, #tpu.memory_space<vmem>>, %arg4: memref<2000x256xf32, #tpu.memory_space<vmem>>) attributes {dimension_semantics = [#tpu.dimension_semantics<arbitrary>], iteration_bounds = array<i64: 5>, scalar_prefetch = 0 : i64, scratch_operands = 0 : i64, tpu.core_type = #tpu.core_type<tc>, window_params = [{transform_indices = @transform_0, window_bounds = array<i64: 2, 2000, 128>}, {transform_indices = @transform_1, window_bounds = array<i64: 1, 2, 2000>}, {pipeline_mode = #tpu.pipeline_mode<synchronous>, transform_indices = @transform_2, window_bounds = array<i64: 1, 256>}, {transform_indices = @transform_3, window_bounds = array<i64: 2000, 256>}]} {
    %get3A = arith.constant 0 : index
    %get3A_0 = arith.constant 0 : index
    %get3A_1 = arith.constant 0 : index
    %get3A_2 = vector.load %arg2[%get3A, %get3A_0, %get3A_1] : memref<1x2x2000xf32, #tpu.memory_space<vmem>>, vector<1x2x2000xf32>
    %slice3A = vector.extract_strided_slice %get3A_2 {offsets = [0, 0, 0], sizes = [1, 1, 2000], strides = [1, 1, 1]} : vector<1x2x2000xf32> to vector<1x1x2000xf32>
    %squeeze3A = vector.shape_cast %slice3A : vector<1x1x2000xf32> to vector<2000xf32>
    %slice3A_3 = vector.extract_strided_slice %get3A_2 {offsets = [0, 1, 0], sizes = [1, 1, 2000], strides = [1, 1, 1]} : vector<1x2x2000xf32> to vector<1x1x2000xf32>
    %squeeze3A_4 = vector.shape_cast %slice3A_3 : vector<1x1x2000xf32> to vector<2000xf32>
    %add3A = arith.addf %squeeze3A, %squeeze3A_4 : vector<2000xf32>
    %add3A_5 = arith.constant 1.000000e+00 : f32
    %add3A_6 = vector.broadcast %add3A_5 : f32 to vector<2000xf32>
    %add3A_7 = arith.addf %add3A, %add3A_6 : vector<2000xf32>
    %rsqrt3A = math.rsqrt %add3A_7 : vector<2000xf32>
    %get3A_8 = arith.constant 0 : index
    %get3A_9 = arith.constant 0 : index
    %get3A_10 = arith.constant 0 : index
    %get3A_11 = vector.load %arg1[%get3A_8, %get3A_9, %get3A_10] : memref<2x2000x128xf32, #tpu.memory_space<vmem>>, vector<1x2000x128xf32>
    %get3A_12 = vector.shape_cast %get3A_11 : vector<1x2000x128xf32> to vector<2000x128xf32>
    %get3A_13 = arith.constant 1 : index
    %get3A_14 = arith.constant 0 : index
    %get3A_15 = arith.constant 0 : index
    %get3A_16 = vector.load %arg1[%get3A_13, %get3A_14, %get3A_15] : memref<2x2000x128xf32, #tpu.memory_space<vmem>>, vector<1x2000x128xf32>
    %get3A_17 = vector.shape_cast %get3A_16 : vector<1x2000x128xf32> to vector<2000x128xf32>
    %concatenate3A = tpu.concatenate %get3A_12, %get3A_17 in 1 : vector<2000x128xf32>, vector<2000x128xf32> -> vector<2000x256xf32>
    %broadcast_in_dim3A = vector.shape_cast %rsqrt3A : vector<2000xf32> to vector<2000x1xf32>
    %mul3A = vector.broadcast %broadcast_in_dim3A : vector<2000x1xf32> to vector<2000x256xf32>
    %mul3A_18 = arith.mulf %mul3A, %concatenate3A : vector<2000x256xf32>
    %get3A_19 = arith.constant 0 : index
    %get3A_20 = arith.constant 0 : index
    %get3A_21 = vector.load %arg3[%get3A_19, %get3A_20] : memref<1x256xf32, #tpu.memory_space<vmem>>, vector<1x256xf32>
    %add3A_22 = vector.broadcast %get3A_21 : vector<1x256xf32> to vector<2000x256xf32>
    %add3A_23 = arith.addf %mul3A_18, %add3A_22 : vector<2000x256xf32>
    %swap3A = arith.constant 0 : index
    %swap3A_24 = arith.constant 0 : index
    %swap3A_25 = vector.load %arg4[%swap3A, %swap3A_24] : memref<2000x256xf32, #tpu.memory_space<vmem>>, vector<2000x256xf32>
    tpu.vector_store %arg4[%swap3A, %swap3A_24], %add3A_23 {strides = array<i32>} : memref<2000x256xf32, #tpu.memory_space<vmem>>, vector<2000x256xf32>,
    return
  }
  func.func @transform_0(%arg0: i32) -> (i32, i32, i32) {
    %c0_i32 = arith.constant 0 : i32
    %c0_i32_0 = arith.constant 0 : i32
    %c0_i32_1 = arith.constant 0 : i32
    return %c0_i32, %arg0, %c0_i32_0 : i32, i32, i32
  }
  func.func @transform_1(%arg0: i32) -> (i32, i32, i32) {
    %c0_i32 = arith.constant 0 : i32
    %c0_i32_0 = arith.constant 0 : i32
    %c0_i32_1 = arith.constant 0 : i32
    return %arg0, %c0_i32, %c0_i32_0 : i32, i32, i32
  }
  func.func @transform_2(%arg0: i32) -> (i32, i32) {
    %c0_i32 = arith.constant 0 : i32
    %c0_i32_0 = arith.constant 0 : i32
    %c0_i32_1 = arith.constant 0 : i32
    return %c0_i32, %c0_i32_0 : i32, i32
  }
  func.func @transform_3(%arg0: i32) -> (i32, i32) {
    %c0_i32 = arith.constant 0 : i32
    %c0_i32_0 = arith.constant 0 : i32
    return %arg0, %c0_i32 : i32, i32
  }
}

</mosaic_0001>

<sc_bundles>
// kernel: kernel.6.cloned.1.call-start
scs
__scs_entry_jumppad:
0x0: {  	(pc) =	sbr.rel $0x88, $3  }
0x1: {  	(tag) =	ssettag $0x0;
	lr =	simm.s32 $0x1  }
0x2: {  	[smem:$0x3F9D] =	sst lr;
	_ =	strace $0xD0000000  }
0x3: {  	_ = 	snop  }
0x4: {  	_ = 	snop  }
0x5: {  	_ = 	snop  }
0x6: {  	_ = 	snop  }
0x7: {  	_ = 	snop  }
__scs_overlays_trampoline_lowered:
0x8: {  	[smem:$0x3FAC] =	sst s0  }
0x9: {  	[smem:$0x3FAD] =	sst s1  }
0xa: {  	[smem:$0x3FAE] =	sst s2  }
0xb: {  	[smem:$0x3FAF] =	sst s3  }
0xc: {  	[smem:$0x3FB0] =	sst s4  }
0xd: {  	[smem:$0x3FB1] =	sst s5  }
0xe: {  	[smem:$0x3FB2] =	sst s6  }
0xf: {  	[smem:$0x3FB3] =	sst s7  }
0x10: {  	[smem:$0x3FB4] =	sst s8  }
0x11: {  	[smem:$0x3FB5] =	sst s9;
	s0 =	simm.s32 @!p0 $0x0  }
0x12: {  	s1 =	sld [smem:$0x3F9B];
	s0 =	simm.s32 @p0 $0x1  }
0x13: {  	[smem:$0x3FB6] =	sst s0;
	s0 =	simm.s32 @!p1 $0x0  }
0x14: {  	s2 =	sld [smem:$0x3F9A];
	s0 =	simm.s32 @p1 $0x1  }
0x15: {  	[smem:$0x3FB7] =	sst s0;
	s0 =	simm.s32 @!p2 $0x0  }
0x16: {  	s3 =	sld [smem:$0x3FDB];
	s0 =	simm.s32 @p2 $0x1  }
0x17: {  	s4 =	simm.s32 $0x1BF5;
	[smem:$0x3FB9] =	sst s0  }
0x18: {  	s0 =	sld [smem:$0x3F9C];
	_ =	swait.ge [sflag:s4], $0x0  }
0x19: {  	s7 =	sld [smem:$0x3F9D]  }
0x1a: {  	s8 =	sadd.s32 $0xFFFFE003, lr  }
0x1b: {  	s9 =	sadd.s32 $0xFFFFFEF7, lr;
	s5 =	simm.s32 $0xFFFFFFFF;
	p2 =	slt.u32 s8, $0xFFFFF086  }
0x1c: {  	p1 =	slt.u32 s9, $0xF7A;
	s5 =	simm.s32 @!p2 $0x0  }
0x1d: {  	s5 =	simm.s32 @p1 $0x1;
	p0 =	seq.s32 s7, s2  }
0x1e: {  	s7 =	smul.u32 @!p0 $0xF7A, s2;
	p2 =	seq.s32 @!p0 s5, $0x0  }
0x1f: {  	s9 =	smul.u32 $0xF7A, s1;
	s8 =	simm.s32 @!p0 $0x1BF5;
	p2 =	por !p2, p0  }
0x20: {  	[sflag:s8] =	ssyncset.s32 @!p0 $0xFFFFF086;
	s6 =	sadd.s32 @!p0 s3, s7;
	s7 =	simm.s32 @!p0 $0x108  }
0x21: {  	s3 =	sadd.s32 s3, s9;
	s6 =	sadd.s32 @!p0 $0x88, s6;
	s7 =	simm.s32 @p2 $0x1082  }
0x22: {  	[simem:s7], [sflag:s8] =	dma.local @!p0 [hbm:s6], $0xF7A  }
0x23: {  	s9 =	sor.u32 $0xD0000000, s2;
	s6 =	simm.s32 $0x108;
	_ =	swait.ge @!p0 [sflag:s8], $0x0  }
0x24: {  	s3 =	sadd.s32 $0x88, s3;
	s6 =	simm.s32 @!p1 $0x1082;
	[sflag:s4] =	ssyncset.s32 $0xFFFFF086  }
0x25: {  	[simem:s6], [sflag:s4] =	dma.local [hbm:s3], $0xF7A  }
0x26: {  	[smem:$0x3F9D] =	sst s1;
	(tag) =	ssettag s2;
	_ =	strace s9  }
0x27: {  	s1 =	sld [smem:$0x3FAD]  }
0x28: {  	s2 =	sld [smem:$0x3FAE]  }
0x29: {  	s4 =	sld [smem:$0x3FB0]  }
0x2a: {  	p0 =	seq.s32 s5, $0x0;
	s5 =	sld [smem:$0x3FB1]  }
0x2b: {  	s6 =	sld [smem:$0x3FB2]  }
0x2c: {  	s7 =	sld [smem:$0x3FB3]  }
0x2d: {  	s3 =	simm.s32 $0x108;
	s8 =	sld [smem:$0x3FB4]  }
0x2e: {  	s3 =	simm.s32 @!p0 $0x1082;
	s9 =	sld [smem:$0x3FB5]  }
0x2f: {  	lr =	sadd.s32 s0, s3;
	s0 =	sld [smem:$0x3FAC]  }
0x30: {  	s3 =	sld [smem:$0x3FAF]  }
0x31: {  	[smem:$0x3FB8] =	sst s10  }
0x32: {  	s10 =	sld [smem:$0x3FB6];
	_ =	sdelay $0x3  }
0x33: {  	p0 =	seq.s32 s10, $0x1;
	s10 =	sld [smem:$0x3FB8];
	_ =	sdelay $0x3  }
0x34: {  	[smem:$0x3FB8] =	sst s10  }
0x35: {  	s10 =	sld [smem:$0x3FB7];
	_ =	sdelay $0x3  }
0x36: {  	p1 =	seq.s32 s10, $0x1;
	s10 =	sld [smem:$0x3FB8];
	_ =	sdelay $0x3  }
0x37: {  	[smem:$0x3FB8] =	sst s10  }
0x38: {  	s10 =	sld [smem:$0x3FB9]  }
0x39: {  	_ = 	snop;
	(pc) =	sbr.ind lr, $3  }
0x3a: {  	_ = 	snop  }
0x3b: {  	_ = 	snop  }
0x3c: {  	p2 =	seq.s32 s10, $0x1;
	s10 =	sld [smem:$0x3FB8]  }
0x3d: {  	_ =	shalt  }
0x3e: {  	_ =	shalt  }
0x3f: {  	_ =	shalt  }
0x40: {  	_ =	shalt  }
0x41: {  	_ =	shalt  }
0x42: {  	_ =	shalt  }
0x43: {  	_ =	shalt  }
0x44: {  	_ =	shalt  }
0x45: {  	_ =	shalt  }
0x46: {  	_ =	shalt  }
0x47: {  	_ =	shalt  }
0x48: {  	_ =	shalt  }
0x49: {  	_ =	shalt  }
0x4a: {  	_ =	shalt  }
0x4b: {  	_ =	shalt  }
0x4c: {  	_ =	shalt  }
0x4d: {  	_ =	shalt  }
0x4e: {  	_ =	shalt  }
0x4f: {  	_ =	shalt  }
0x50: {  	_ =	shalt  }
0x51: {  	_ =	shalt  }
0x52: {  	_ =	shalt  }
0x53: {  	_ =	shalt  }
0x54: {  	_ =	shalt  }
0x55: {  	_ =	shalt  }
0x56: {  	_ =	shalt  }
0x57: {  	_ =	shalt  }
0x58: {  	_ =	shalt  }
0x59: {  	_ =	shalt  }
0x5a: {  	_ =	shalt  }
0x5b: {  	_ =	shalt  }
0x5c: {  	_ =	shalt  }
0x5d: {  	_ =	shalt  }
0x5e: {  	_ =	shalt  }
0x5f: {  	_ =	shalt  }
0x60: {  	_ =	shalt  }
0x61: {  	_ =	shalt  }
0x62: {  	_ =	shalt  }
0x63: {  	_ =	shalt  }
0x64: {  	_ =	shalt  }
0x65: {  	_ =	shalt  }
0x66: {  	_ =	shalt  }
0x67: {  	_ =	shalt  }
0x68: {  	_ =	shalt  }
0x69: {  	_ =	shalt  }
0x6a: {  	_ =	shalt  }
0x6b: {  	_ =	shalt  }
0x6c: {  	_ =	shalt  }
0x6d: {  	_ =	shalt  }
0x6e: {  	_ =	shalt  }
0x6f: {  	_ =	shalt  }
0x70: {  	_ =	shalt  }
0x71: {  	_ =	shalt  }
0x72: {  	_ =	shalt  }
0x73: {  	_ =	shalt  }
0x74: {  	_ =	shalt  }
0x75: {  	_ =	shalt  }
0x76: {  	_ =	shalt  }
0x77: {  	_ =	shalt  }
0x78: {  	_ =	shalt  }
0x79: {  	_ =	shalt  }
0x7a: {  	_ =	shalt  }
0x7b: {  	_ =	shalt  }
0x7c: {  	_ =	shalt  }
0x7d: {  	_ =	shalt  }
0x7e: {  	_ =	shalt  }
0x7f: {  	_ =	shalt  }
0x80: {  	_ =	shalt  }
0x81: {  	_ =	shalt  }
0x82: {  	_ =	shalt  }
0x83: {  	_ =	shalt  }
0x84: {  	_ =	shalt  }
0x85: {  	_ =	shalt  }
0x86: {  	_ =	shalt  }
0x87: {  	_ =	shalt  }
.Lfunc_end0:
.L_simem_size_0:
called_computation_lowered:
.L_overlay_start_0:
0x88: {  	s2 =	sld [smem:$0x3FD9]  }
0x89: {  	s3 =	sld [smem:$0x3FFE];
	_ =	sdelay $0x1  }
0x8a: {  	s1 =	srdreg.scid  }
0x8b: {  	s0 =	sand.u32 $0x1, s1  }
0x8c: {  	s17 =	sshll.u32 s0, $0xA;
	s2 =	sadd.s32 s3, s2  }
0x8d: {  	s2 =	sadd.s32 s2, s17  }
0x8e: {  	[smem:$0x3FC4] =	sst s2  }
0x8f: {  	_ = 	snop  }
0x90: {  	s2 =	sld [smem:$0x3FD0];
	(tm) =	ssettm $0x1  }
0x91: {  	s18 =	sld [smem:$0x3FFB];
	_ =	sdelay $0x3  }
0x92: {  	_ =	strace s18  }
0x93: {  	s3 =	sld [smem:$0x3FFC];
	_ =	sdelay $0x3  }
0x94: {  	_ =	strace s3  }
0x95: {  	s3 =	sld [smem:$0x3FFD];
	_ =	sdelay $0x3  }
0x96: {  	_ =	strace s3  }
0x97: {  	_ =	strace $0x8FFFFFFF  }
0x98: {  	s19 =	sld [smem:$0x3FDB];
	_ =	sdelay $0x1  }
0x99: {  	s4 =	simm.s32 $_scs_section_size  }
0x9a: {  	s5 =	simm.s32 $_size__tile_overlayer_lowered;
	s6 =	simm.s32 $_tile_overlayer_lowered  }
0x9b: {  	s22 =	simm.s32 $0x1BFF;
	s21 =	sshll.u32 s6, $0x1;
	s3 =	sadd.s32 s4, s19  }
0x9c: {  	s7 =	simm.s32 $0x0;
	s20 =	sshll.u32 s5, $0x1;
	s5 =	sadd.s32 s21, s3  }
0x9d: {  	[timem:s7], [sflag:s22] =	dma.local [hbm:s5], s20  }
0x9e: {  	_ =	swait.ge [sflag:s22], s20  }
0x9f: {  	s4 =	ssub.s32 $0x0, s20;
	[sflag:s22] =	ssyncset.done $0x0  }
0xa0: {  	[sflag:s22] =	ssyncadd.s32 s4;
	_ =	sdelay $0x1  }
0xa1: {  	s23 =	simm.s32 $0x1B8B  }
0xa2: {  	_ =	swait.ge [sflag:s23], $0x1  }
0xa3: {  	[sflag:s23] =	ssyncset.done $0x0  }
0xa4: {  	s25 =	simm.s32 $0x1B8E;
	s24 =	sld [smem:$0x3FFE];
	[sflag:s23] =	ssyncadd.s32 $0xFFFFFFFF  }
0xa5: {  	s26 =	simm.s32 $execute0_lowered;
	[smem:$0x3FD2] =	sst s25  }
0xa6: {  	s5 =	sshll.u32 s26, $0x1;
	_ =	strace $0x80000046;
	[dreg:$0x1] =	wrdreg $0xFFFFFFFF  }
0xa7: {  	s28 =	simm.s32 $_size_execute0_lowered;
	s3 =	sadd.s32 s3, s5;
	[dreg:$0x0] =	wrdreg $0x0  }
0xa8: {  	s5 =	sshll.u32 s28, $0x1;
	[dreg:$0x2] =	wrdreg s3  }
0xa9: {  	[dreg:$0x3] =	wrdreg s5  }
0xaa: {  	[dreg:$0x4] =	wrdreg $0xC0  }
0xab: {  	_ =	task [dreg:s7], $0x5FFFF  }
0xac: {  	[dreg:$0x1] =	wrdreg $0xFFFFFFFF  }
0xad: {  	[dreg:$0x0] =	wrdreg $0x60  }
0xae: {  	[dreg:$0x2] =	wrdreg s2  }
0xaf: {  	[dreg:$0x3] =	wrdreg s24  }
0xb0: {  	[dreg:$0x4] =	wrdreg $0x14800  }
0xb1: {  	[dreg:$0x5] =	wrdreg $0x9  }
0xb2: {  	_ =	task.clear_ibuf [dreg:s7], $0x6FFFF;
	_ =	strace $0x90000046  }
0xb3: {  	s29 =	simm.s32 $0x9;
	_ =	strace $0x80000048  }
0xb4: {  	_ =	swait.ge [sflag:s29], $0x1  }
0xb5: {  	[sflag:s29] =	ssyncadd.s32 $0xFFFFFFFF  }
0xb6: {  	_ =	strace $0x90000048  }
0xb7: {  	_ =	sfence  }
0xb8: {  	s30 =	sld [smem:$0x0];
	_ =	sdelay $0x2  }
0xb9: {  	s31 =	sshll.u32 s1, $0xD;
	s1 =	sshrl.u32 s1, $0x2  }
0xba: {  	s3 =	sand.u32 $0x4000, s31;
	s1 =	sadd.s32 s1, s30  }
0xbb: {  	s0 =	sor.u32 s3, s0;
	s1 =	sshll.u32 s1, $0x11  }
0xbc: {  	s0 =	sor.u32 s1, s0  }
0xbd: {  	s0 =	sadd.s32 $0x8F2B, s0  }
0xbe: {  	[sflag:s0] =	ssyncadd.remote.s32 $0x1  }
0xbf: {  	_ =	sfence.sel $0xFFFF  }
0xc0: {  	[dreg:$0x0] =	wrdreg $0xFFFFFFFF;
	(pc) =	sbr.abs _section_cstart, $3  }
0xc1: {  	[dreg:$0x1] =	wrdreg $0xFFFFFFFF  }
0xc2: {  	_ =	task.clear_ibuf [dreg:s7], $0x2FFFF;
	_ =	strace $0x9FFFFFFF  }
0xc3: {  	(tm) =	ssettm $0x7FFFFFFF  }
tec
execute0_lowered:
.L_overlay_start_1:
0x0: {  	(tag) =	ssettag $0x1  }
0x1: {  	s5 =	rddreg [dreg:$0x0]  }
0x2: {  	s6 =	rddreg [dreg:$0x1]  }
0x3: {  	s1 =	rddreg [dreg:$0x2];
	s2 =	srdreg.scid  }
0x4: {  	s0 =	rddreg [dreg:$0x3];
	s8 =	stileid.u32;
	s12 =	simm.s32 $0x80  }
0x5: {  	s13 =	simm.s32 $0x100;
	s14 =	simm.s32 $0x180;
	s15 =	simm.s32 $0x1  }
0x6: {  	s16 =	simm.s32 $0x0;
	s7 =	sand.u32 $0x1, s2;
	s2 =	simm.s32 $0x0  }
0x7: {  	s10 =	smul.u32 $0x1400, s8;
	s3 =	sadd.s32 $0xA00, s6;
	s4 =	sadd.s32 $0xC00, s6  }
0x8: {  	p0 =	sne.s32 s8, $0x0;
	s8 =	simm.s32 $0x2;
	s9 =	smul.u32 $0x14000, s7  }
0x9: {  	[smem:$0x7FF] =	sst s2;
	s11 =	ssub.s32 $0x2, s7;
	s7 =	sshll.u32 s7, $0x4  }
0xa: {  	_ =	strace $0x80000047;
	s30 =	sshrl.u32 s11, $0x1;
	s6 =	sadd.s32 s7, s6  }
0xb: {  	s9 =	sadd.s32 s10, s9;
	s31 =	ssub.s32 s11, s30;
	s6 =	sadd.s32 $0x1200, s6  }
0xc: {  	s10 =	sshrl.u32 @!p0 s1, $0x3;
	s11 =	simm.s32 $0x7D;
	s9 =	sshrl.u32 s9, $0x3  }
0xd: {  	s7 =	smax.u32 s31, $0x1;
	s5 =	sadd.s32 s5, s9;
	s9 =	simm.s32 $0x1400  }
.LBB2_1:
0xe: {  	[tilespmem:s2], [sflag:$0x2] =	stream.linear.gather [hbm4b:s5+s2], $0x1400, $0x38;
	[tilespmem:$0x16F8] =	vst v63  }
0xf: {  	_ =	swait.ge [sflag:s8], $0x1400  }
0x10: {  	[sflag:s8] =	ssyncset.done $0x0  }
0x11: {  	[sflag:s8] =	ssyncadd.s32 $0xFFFFEC00  }
0x12: {  	[tilespmem:s9], [sflag:$0x2] =	stream.linear.gather [hbm4b:s3+s2], $0x80, $0x38;
	[tilespmem:$0x16F8] =	vst v63  }
0x13: {  	_ =	swait.ge [sflag:s8], $0x80  }
0x14: {  	[sflag:s8] =	ssyncset.done $0x0  }
0x15: {  	s17 =	simm.s32 @!p0 $0x1C02;
	[sflag:s8] =	ssyncadd.s32 $0xFFFFFF80  }
0x16: {  	[spmem:s10], [sflag:s17] =	dma.local @!p0 [hbm:s4], $0x4F0  }
0x17: {  	s17 =	simm.s32 @!p0 $0x2  }
0x18: {  	_ =	swait.ge @!p0 [sflag:s17], $0x4F0  }
0x19: {  	[sflag:s17] =	ssyncset.done @!p0 $0x0  }
0x1a: {  	[sflag:s17] =	ssyncadd.s32 @!p0 $0xFFFFFB10  }
0x1b: {  	[bflag:$0x0] =	sbarrier.arrive $0xFFFF  }
0x1c: {  	[spmem:s1] =	stream.indirect.scatter.add.f32 [tilespmem:s9], [sflag:$0x1], $0x1, s2, s11, $0xb8;
	[tilespmem:$0x16F8] =	vst v63  }
0x1d: {  	_ = 	snop  }
0x1e: {  	[spmem:s1] =	stream.indirect.scatter.add.f32 [tilespmem:s9], [sflag:$0x1], $0x1, s12, s11, $0xb8;
	[tilespmem:$0x16F8] =	vst v63  }
0x1f: {  	_ = 	snop  }
0x20: {  	[spmem:s1] =	stream.indirect.scatter.add.f32 [tilespmem:s9], [sflag:$0x1], $0x1, s13, s11, $0xb8;
	[tilespmem:$0x16F8] =	vst v63  }
0x21: {  	_ = 	snop  }
0x22: {  	[spmem:s1] =	stream.indirect.scatter.add.f32 [tilespmem:s9], [sflag:$0x1], $0x1, s14, s11, $0xb8;
	[tilespmem:$0x16F8] =	vst v63  }
0x23: {  	s18 =	simm.s32 $0x200;
	p1 =	por $0x0, $0x0;
	_ =	swait.ge [sflag:s15], $0x7D  }
0x24: {  	s19 =	simm.s32 $0x280;
	s20 =	simm.s32 @!p1 $0x7D;
	[sflag:s15] =	ssyncset.done $0x0  }
0x25: {  	s21 =	simm.s32 @!p1 $0x1400;
	s17 =	simm.s32 $0x1;
	[sflag:s15] =	ssyncadd.s32 $0xFFFFFF83  }
.LBB2_2:
0x26: {  	[spmem:s1] =	stream.indirect.scatter.add.f32 @!p1 [tilespmem:s21], [sflag:$0x1], $0x1, s18, s20, $0xb8;
	[tilespmem:$0x16F8] =	vst v63  }
0x27: {  	s20 =	smov.u32 s17;
	s17 =	sadd.s32 $0x1, s17  }
0x28: {  	p2 =	sne.s32 s17, $0x28  }
.Ltmp0:
0x29: {  	(pc) =	sbr.rel @p2 .LBB2_2-.Ltmp0, $4  }
0x2a: {  	s18 =	smov.u32 s19  }
0x2b: {  	_ =	swait.ge [sflag:s15], $0x7D  }
0x2c: {  	s19 =	sadd.s32 $0x80, s19;
	p1 =	sgt.u32 s20, $0x23;
	[sflag:s15] =	ssyncset.done $0x0  }
0x2d: {  	s20 =	simm.s32 @!p1 $0x7D;
	s21 =	simm.s32 @!p1 $0x1400;
	[sflag:s15] =	ssyncadd.s32 $0xFFFFFF83  }
0x2e: {  	[spmem:s1] =	stream.indirect.scatter.add.f32 @!p1 [tilespmem:s21], [sflag:$0x1], $0x1, s18, s20, $0xb8;
	[tilespmem:$0x16F8] =	vst v63  }
0x2f: {  	s17 =	simm.s32 @!p0 $0x1  }
0x30: {  	s18 =	simm.s32 @!p0 $0x20;
	s19 =	simm.s32 @!p0 $0x10;
	s16 =	sadd.s32 $0x1, s16  }
0x31: {  	s20 =	simm.s32 @!p0 $0x1C02;
	[bflag:$0x0] =	sbarrier.arrive $0xFFFF;
	p1 =	sne.s32 s16, s7  }
0x32: {  	[hbm:s6@s18], [sflag:s20] =	dma.strided @!p0 [spmem:s10@s19], $0x4F0, s17, $0x10   }
.Ltmp1:
0x33: {  	_ = 	snop;
	(pc) =	sbr.rel @p1 .LBB2_1-.Ltmp1, $4  }
0x34: {  	s17 =	simm.s32 @!p0 $0x2  }
0x35: {  	_ =	swait.ge @!p0 [sflag:s17], $0x4F0  }
0x36: {  	[sflag:s17] =	ssyncset.done @!p0 $0x0  }
0x37: {  	[sflag:s17] =	ssyncadd.s32 @!p0 $0xFFFFFB10  }
0x38: {  	_ =	sfence.sel $0x180000  }
0x39: {  	[bflag:$0x0] =	sbarrier.arrive $0xFFFF  }
0x3a: {  	_ =	strace $0x90000047  }
0x3b: {  	s0 =	sadd.s32 @!p0 $0x100000, s0;
	[bflag:$0x2] =	sbarrier.arrive $0xFFFF  }
0x3c: {  	[sflag:s0] =	ssyncadd.tile.s32 @!p0 $0x1;
	_ =	shalt  }
.Lfunc_end2:
_tile_overlayer_lowered:
.L_overlay_start_2:
0x3d: {  	(tag) =	ssettag $0x2  }
0x3e: {  	s0 =	rddreg [dreg:$0x0];
	s2 =	stileid.u32  }
0x3f: {  	s1 =	rddreg [dreg:$0x1];
	p0 =	sne.s32 s2, $0x0  }
0x40: {  	s3 =	rddreg [dreg:$0x2];
	[bflag:$0x3] =	sbarrier.arrive $0xFFFF;
	s2 =	simm.s32 @!p0 $0x1C02  }
0x41: {  	[timem:s3], [sflag:s2] =	dma.local @!p0 [hbm:s0], s1  }
0x42: {  	s0 =	simm.s32 @!p0 $0x2  }
0x43: {  	_ =	swait.ge @!p0 [sflag:s0], s1  }
0x44: {  	s1 =	ssub.s32 @!p0 $0x0, s1;
	[sflag:s0] =	ssyncset.done @!p0 $0x0  }
0x45: {  	[sflag:s0] =	ssyncadd.s32 @!p0 s1  }
0x46: {  	[bflag:$0x3] =	sbarrier.arrive $0xFFFF  }
0x47: {  	_ =	shalt  }

// kernel: kernel.9.cloned.1.call-start
scs
__scs_entry_jumppad:
0x0: {  	(pc) =	sbr.rel $0x88, $3  }
0x1: {  	(tag) =	ssettag $0x0;
	lr =	simm.s32 $0x1  }
0x2: {  	[smem:$0x3F9D] =	sst lr;
	_ =	strace $0xD0000000  }
0x3: {  	_ = 	snop  }
0x4: {  	_ = 	snop  }
0x5: {  	_ = 	snop  }
0x6: {  	_ = 	snop  }
0x7: {  	_ = 	snop  }
__scs_overlays_trampoline_lowered:
0x8: {  	[smem:$0x3FAC] =	sst s0  }
0x9: {  	[smem:$0x3FAD] =	sst s1  }
0xa: {  	[smem:$0x3FAE] =	sst s2  }
0xb: {  	[smem:$0x3FAF] =	sst s3  }
0xc: {  	[smem:$0x3FB0] =	sst s4  }
0xd: {  	[smem:$0x3FB1] =	sst s5  }
0xe: {  	[smem:$0x3FB2] =	sst s6  }
0xf: {  	[smem:$0x3FB3] =	sst s7  }
0x10: {  	[smem:$0x3FB4] =	sst s8  }
0x11: {  	[smem:$0x3FB5] =	sst s9;
	s0 =	simm.s32 @!p0 $0x0  }
0x12: {  	s1 =	sld [smem:$0x3F9B];
	s0 =	simm.s32 @p0 $0x1  }
0x13: {  	[smem:$0x3FB6] =	sst s0;
	s0 =	simm.s32 @!p1 $0x0  }
0x14: {  	s2 =	sld [smem:$0x3F9A];
	s0 =	simm.s32 @p1 $0x1  }
0x15: {  	[smem:$0x3FB7] =	sst s0;
	s0 =	simm.s32 @!p2 $0x0  }
0x16: {  	s3 =	sld [smem:$0x3FDB];
	s0 =	simm.s32 @p2 $0x1  }
0x17: {  	s4 =	simm.s32 $0x1BF5;
	[smem:$0x3FB9] =	sst s0  }
0x18: {  	s0 =	sld [smem:$0x3F9C];
	_ =	swait.ge [sflag:s4], $0x0  }
0x19: {  	s7 =	sld [smem:$0x3F9D]  }
0x1a: {  	s8 =	sadd.s32 $0xFFFFE003, lr  }
0x1b: {  	s9 =	sadd.s32 $0xFFFFFEF7, lr;
	s5 =	simm.s32 $0xFFFFFFFF;
	p2 =	slt.u32 s8, $0xFFFFF086  }
0x1c: {  	p1 =	slt.u32 s9, $0xF7A;
	s5 =	simm.s32 @!p2 $0x0  }
0x1d: {  	s5 =	simm.s32 @p1 $0x1;
	p0 =	seq.s32 s7, s2  }
0x1e: {  	s7 =	smul.u32 @!p0 $0xF7A, s2;
	p2 =	seq.s32 @!p0 s5, $0x0  }
0x1f: {  	s9 =	smul.u32 $0xF7A, s1;
	s8 =	simm.s32 @!p0 $0x1BF5;
	p2 =	por !p2, p0  }
0x20: {  	[sflag:s8] =	ssyncset.s32 @!p0 $0xFFFFF086;
	s6 =	sadd.s32 @!p0 s3, s7;
	s7 =	simm.s32 @!p0 $0x108  }
0x21: {  	s3 =	sadd.s32 s3, s9;
	s6 =	sadd.s32 @!p0 $0x88, s6;
	s7 =	simm.s32 @p2 $0x1082  }
0x22: {  	[simem:s7], [sflag:s8] =	dma.local @!p0 [hbm:s6], $0xF7A  }
0x23: {  	s9 =	sor.u32 $0xD0000000, s2;
	s6 =	simm.s32 $0x108;
	_ =	swait.ge @!p0 [sflag:s8], $0x0  }
0x24: {  	s3 =	sadd.s32 $0x88, s3;
	s6 =	simm.s32 @!p1 $0x1082;
	[sflag:s4] =	ssyncset.s32 $0xFFFFF086  }
0x25: {  	[simem:s6], [sflag:s4] =	dma.local [hbm:s3], $0xF7A  }
0x26: {  	[smem:$0x3F9D] =	sst s1;
	(tag) =	ssettag s2;
	_ =	strace s9  }
0x27: {  	s1 =	sld [smem:$0x3FAD]  }
0x28: {  	s2 =	sld [smem:$0x3FAE]  }
0x29: {  	s4 =	sld [smem:$0x3FB0]  }
0x2a: {  	p0 =	seq.s32 s5, $0x0;
	s5 =	sld [smem:$0x3FB1]  }
0x2b: {  	s6 =	sld [smem:$0x3FB2]  }
0x2c: {  	s7 =	sld [smem:$0x3FB3]  }
0x2d: {  	s3 =	simm.s32 $0x108;
	s8 =	sld [smem:$0x3FB4]  }
0x2e: {  	s3 =	simm.s32 @!p0 $0x1082;
	s9 =	sld [smem:$0x3FB5]  }
0x2f: {  	lr =	sadd.s32 s0, s3;
	s0 =	sld [smem:$0x3FAC]  }
0x30: {  	s3 =	sld [smem:$0x3FAF]  }
0x31: {  	[smem:$0x3FB8] =	sst s10  }
0x32: {  	s10 =	sld [smem:$0x3FB6];
	_ =	sdelay $0x3  }
0x33: {  	p0 =	seq.s32 s10, $0x1;
	s10 =	sld [smem:$0x3FB8];
	_ =	sdelay $0x3  }
0x34: {  	[smem:$0x3FB8] =	sst s10  }
0x35: {  	s10 =	sld [smem:$0x3FB7];
	_ =	sdelay $0x3  }
0x36: {  	p1 =	seq.s32 s10, $0x1;
	s10 =	sld [smem:$0x3FB8];
	_ =	sdelay $0x3  }
0x37: {  	[smem:$0x3FB8] =	sst s10  }
0x38: {  	s10 =	sld [smem:$0x3FB9]  }
0x39: {  	_ = 	snop;
	(pc) =	sbr.ind lr, $3  }
0x3a: {  	_ = 	snop  }
0x3b: {  	_ = 	snop  }
0x3c: {  	p2 =	seq.s32 s10, $0x1;
	s10 =	sld [smem:$0x3FB8]  }
0x3d: {  	_ =	shalt  }
0x3e: {  	_ =	shalt  }
0x3f: {  	_ =	shalt  }
0x40: {  	_ =	shalt  }
0x41: {  	_ =	shalt  }
0x42: {  	_ =	shalt  }
0x43: {  	_ =	shalt  }
0x44: {  	_ =	shalt  }
0x45: {  	_ =	shalt  }
0x46: {  	_ =	shalt  }
0x47: {  	_ =	shalt  }
0x48: {  	_ =	shalt  }
0x49: {  	_ =	shalt  }
0x4a: {  	_ =	shalt  }
0x4b: {  	_ =	shalt  }
0x4c: {  	_ =	shalt  }
0x4d: {  	_ =	shalt  }
0x4e: {  	_ =	shalt  }
0x4f: {  	_ =	shalt  }
0x50: {  	_ =	shalt  }
0x51: {  	_ =	shalt  }
0x52: {  	_ =	shalt  }
0x53: {  	_ =	shalt  }
0x54: {  	_ =	shalt  }
0x55: {  	_ =	shalt  }
0x56: {  	_ =	shalt  }
0x57: {  	_ =	shalt  }
0x58: {  	_ =	shalt  }
0x59: {  	_ =	shalt  }
0x5a: {  	_ =	shalt  }
0x5b: {  	_ =	shalt  }
0x5c: {  	_ =	shalt  }
0x5d: {  	_ =	shalt  }
0x5e: {  	_ =	shalt  }
0x5f: {  	_ =	shalt  }
0x60: {  	_ =	shalt  }
0x61: {  	_ =	shalt  }
0x62: {  	_ =	shalt  }
0x63: {  	_ =	shalt  }
0x64: {  	_ =	shalt  }
0x65: {  	_ =	shalt  }
0x66: {  	_ =	shalt  }
0x67: {  	_ =	shalt  }
0x68: {  	_ =	shalt  }
0x69: {  	_ =	shalt  }
0x6a: {  	_ =	shalt  }
0x6b: {  	_ =	shalt  }
0x6c: {  	_ =	shalt  }
0x6d: {  	_ =	shalt  }
0x6e: {  	_ =	shalt  }
0x6f: {  	_ =	shalt  }
0x70: {  	_ =	shalt  }
0x71: {  	_ =	shalt  }
0x72: {  	_ =	shalt  }
0x73: {  	_ =	shalt  }
0x74: {  	_ =	shalt  }
0x75: {  	_ =	shalt  }
0x76: {  	_ =	shalt  }
0x77: {  	_ =	shalt  }
0x78: {  	_ =	shalt  }
0x79: {  	_ =	shalt  }
0x7a: {  	_ =	shalt  }
0x7b: {  	_ =	shalt  }
0x7c: {  	_ =	shalt  }
0x7d: {  	_ =	shalt  }
0x7e: {  	_ =	shalt  }
0x7f: {  	_ =	shalt  }
0x80: {  	_ =	shalt  }
0x81: {  	_ =	shalt  }
0x82: {  	_ =	shalt  }
0x83: {  	_ =	shalt  }
0x84: {  	_ =	shalt  }
0x85: {  	_ =	shalt  }
0x86: {  	_ =	shalt  }
0x87: {  	_ =	shalt  }
.Lfunc_end0:
.L_simem_size_0:
called_computation.1_lowered:
.L_overlay_start_0:
0x88: {  	s2 =	sld [smem:$0x3FD9]  }
0x89: {  	s3 =	sld [smem:$0x3FFE];
	_ =	sdelay $0x1  }
0x8a: {  	s1 =	srdreg.scid  }
0x8b: {  	s0 =	sand.u32 $0x1, s1  }
0x8c: {  	s17 =	sshll.u32 s0, $0xA;
	s2 =	sadd.s32 s3, s2  }
0x8d: {  	s2 =	sadd.s32 s2, s17  }
0x8e: {  	[smem:$0x3FC4] =	sst s2  }
0x8f: {  	_ = 	snop  }
0x90: {  	s2 =	sld [smem:$0x3FD0];
	(tm) =	ssettm $0x1  }
0x91: {  	s18 =	sld [smem:$0x3FFB];
	_ =	sdelay $0x3  }
0x92: {  	_ =	strace s18  }
0x93: {  	s3 =	sld [smem:$0x3FFC];
	_ =	sdelay $0x3  }
0x94: {  	_ =	strace s3  }
0x95: {  	s3 =	sld [smem:$0x3FFD];
	_ =	sdelay $0x3  }
0x96: {  	_ =	strace s3  }
0x97: {  	_ =	strace $0x8FFFFFFF  }
0x98: {  	s19 =	sld [smem:$0x3FDB];
	_ =	sdelay $0x1  }
0x99: {  	s4 =	simm.s32 $_scs_section_size  }
0x9a: {  	s5 =	simm.s32 $_size__tile_overlayer_lowered;
	s6 =	simm.s32 $_tile_overlayer_lowered  }
0x9b: {  	s22 =	simm.s32 $0x1BFF;
	s21 =	sshll.u32 s6, $0x1;
	s3 =	sadd.s32 s4, s19  }
0x9c: {  	s7 =	simm.s32 $0x0;
	s20 =	sshll.u32 s5, $0x1;
	s5 =	sadd.s32 s21, s3  }
0x9d: {  	[timem:s7], [sflag:s22] =	dma.local [hbm:s5], s20  }
0x9e: {  	_ =	swait.ge [sflag:s22], s20  }
0x9f: {  	s4 =	ssub.s32 $0x0, s20;
	[sflag:s22] =	ssyncset.done $0x0  }
0xa0: {  	[sflag:s22] =	ssyncadd.s32 s4;
	_ =	sdelay $0x1  }
0xa1: {  	s23 =	simm.s32 $0x1B8B  }
0xa2: {  	_ =	swait.ge [sflag:s23], $0x1  }
0xa3: {  	[sflag:s23] =	ssyncset.done $0x0  }
0xa4: {  	s25 =	simm.s32 $0x1B8E;
	s24 =	sld [smem:$0x3FFE];
	[sflag:s23] =	ssyncadd.s32 $0xFFFFFFFF  }
0xa5: {  	s26 =	simm.s32 $execute0_lowered;
	[smem:$0x3FD2] =	sst s25  }
0xa6: {  	s5 =	sshll.u32 s26, $0x1;
	_ =	strace $0x80000049;
	[dreg:$0x1] =	wrdreg $0xFFFFFFFF  }
0xa7: {  	s28 =	simm.s32 $_size_execute0_lowered;
	s3 =	sadd.s32 s3, s5;
	[dreg:$0x0] =	wrdreg $0x0  }
0xa8: {  	s5 =	sshll.u32 s28, $0x1;
	[dreg:$0x2] =	wrdreg s3  }
0xa9: {  	[dreg:$0x3] =	wrdreg s5  }
0xaa: {  	[dreg:$0x4] =	wrdreg $0xC0  }
0xab: {  	_ =	task [dreg:s7], $0x5FFFF  }
0xac: {  	[dreg:$0x1] =	wrdreg $0xFFFFFFFF  }
0xad: {  	[dreg:$0x0] =	wrdreg $0x60  }
0xae: {  	[dreg:$0x2] =	wrdreg s2  }
0xaf: {  	[dreg:$0x3] =	wrdreg s24  }
0xb0: {  	[dreg:$0x4] =	wrdreg $0xA5000  }
0xb1: {  	[dreg:$0x5] =	wrdreg $0x9  }
0xb2: {  	_ =	task.clear_ibuf [dreg:s7], $0x6FFFF;
	_ =	strace $0x90000049  }
0xb3: {  	s29 =	simm.s32 $0x9;
	_ =	strace $0x8000004B  }
0xb4: {  	_ =	swait.ge [sflag:s29], $0x1  }
0xb5: {  	[sflag:s29] =	ssyncadd.s32 $0xFFFFFFFF  }
0xb6: {  	_ =	strace $0x9000004B  }
0xb7: {  	_ =	sfence  }
0xb8: {  	s30 =	sld [smem:$0x0];
	_ =	sdelay $0x2  }
0xb9: {  	s31 =	sshll.u32 s1, $0xD;
	s1 =	sshrl.u32 s1, $0x2  }
0xba: {  	s3 =	sand.u32 $0x4000, s31;
	s1 =	sadd.s32 s1, s30  }
0xbb: {  	s0 =	sor.u32 s3, s0;
	s1 =	sshll.u32 s1, $0x11  }
0xbc: {  	s0 =	sor.u32 s1, s0  }
0xbd: {  	s0 =	sadd.s32 $0x8F2B, s0  }
0xbe: {  	[sflag:s0] =	ssyncadd.remote.s32 $0x1  }
0xbf: {  	_ =	sfence.sel $0xFFFF  }
0xc0: {  	[dreg:$0x0] =	wrdreg $0xFFFFFFFF;
	(pc) =	sbr.abs _section_cstart, $3  }
0xc1: {  	[dreg:$0x1] =	wrdreg $0xFFFFFFFF  }
0xc2: {  	_ =	task.clear_ibuf [dreg:s7], $0x2FFFF;
	_ =	strace $0x9FFFFFFF  }
0xc3: {  	(tm) =	ssettm $0x7FFFFFFF  }
tec
execute0_lowered:
.L_overlay_start_1:
0x0: {  	(tag) =	ssettag $0x1  }
0x1: {  	s0 =	rddreg [dreg:$0x0]  }
0x2: {  	s3 =	rddreg [dreg:$0x1]  }
0x3: {  	s1 =	rddreg [dreg:$0x2]  }
0x4: {  	s2 =	simm.s32 $0x0;
	s4 =	srdreg.scid;
	s15 =	stileid.u32  }
0x5: {  	s21 =	simm.s32 $0x3;
	s28 =	simm.s32 $0x1;
	s29 =	simm.s32 $0x2  }
0x6: {  	s30 =	simm.s32 $0x5;
	s31 =	simm.s32 $0x0;
	s5 =	smul.u32 $0x13800, s15  }
0x7: {  	[smem:$0x7FF] =	sst s2;
	s4 =	sand.u32 $0x1, s4;
	s8 =	smul.u32 $0x4E000, s15  }
0x8: {  	s14 =	sadd.s32 $0x1C00, s3;
	s13 =	sadd.s32 $0x11600, s3;
	s24 =	smul.u32 $0x7D00, s15  }
0x9: {  	s18 =	sadd.s32 $0x138000, s1;
	s20 =	smul.u32 $0xFA0, s15;
	p0 =	sne.s32 s15, $0x0  }
0xa: {  	s6 =	smul.u32 $0x138800, s4;
	_ =	strace $0x8000004A;
	s4 =	ssub.s32 $0x2, s4  }
0xb: {  	s7 =	sshrl.u32 s4, $0x1;
	s23 =	sshrl.u32 s8, $0x2;
	s25 =	sshrl.u32 s24, $0x3  }
0xc: {  	s26 =	sadd.s32 s20, s14;
	s16 =	ssub.s32 s4, s7;
	s22 =	sadd.s32 s5, s6  }
0xd: {  	s17 =	sadd.s32 s23, s1;
	s4 =	sshll.u32 s15, $0x6;
	s11 =	sshrl.u32 s6, $0x3  }
0xe: {  	s6 =	sadd.s32 s14, s25;
	s12 =	sshrl.u32 s22, $0x3;
	s5 =	sor.u32 $0x1C04, s4  }
0xf: {  	s19 =	sadd.s32 $0x27000, s11;
	s8 =	sadd.s32 $0x20, s6;
	s9 =	sadd.s32 $0x40, s6  }
.Ltmp0:
0x10: {  	s10 =	sadd.s32 $0x60, s6;
	s11 =	sadd.s32 s0, s11;
	(pc) =	sbr.rel .LBB2_1-.Ltmp0, $4  }
0x11: {  	s14 =	smax.u32 s16, $0x1;
	s16 =	sshrl.u32 s17, $0x3;
	s17 =	sshrl.u32 @!p0 s18, $0x3  }
0x12: {  	s18 =	simm.s32 $0x100;
	s22 =	simm.s32 $0x50;
	s3 =	sadd.s32 s0, s12  }
0x13: {  	s7 =	sadd.s32 s0, s19;
	s12 =	sadd.s32 s13, s12;
	s13 =	sadd.s32 s13, s19  }
0x14: {  	s0 =	sadd.s32 $0x80, s26;
	s19 =	simm.s32 $0x200;
	s26 =	simm.s32 $0x4  }
.LBB2_7:
0x15: {  	_ =	swait.ge [sflag:s29], $0x2800  }
0x16: {  	[sflag:s29] =	ssyncset.done $0x0  }
0x17: {  	[sflag:s29] =	ssyncadd.s32 $0xFFFFD800  }
0x18: {  	s15 =	sor.u32 $0x1C05, s4;
	[bflag:$0x0] =	sbarrier.arrive $0xFFFF  }
0x19: {  	[hbm:s12], [sflag:s15] =	dma.local [spmem:s16], $0x2700  }
0x1a: {  	_ =	swait.ge [sflag:s30], $0x2700  }
0x1b: {  	s31 =	sadd.s32 $0x1, s31;
	[sflag:s30] =	ssyncset.done $0x0  }
0x1c: {  	p1 =	sne.s32 s31, s14;
	[sflag:s30] =	ssyncadd.s32 $0xFFFFD900  }
0x1d: {  	[hbm:s13], [sflag:s15] =	dma.local @!p0 [spmem:s17], $0x100  }
.Ltmp1:
0x1e: {  	_ = 	snop;
	(pc) =	sbr.rel @!p1 .LBB2_8-.Ltmp1, $4  }
0x1f: {  	s15 =	simm.s32 @!p0 $0x5  }
0x20: {  	_ =	swait.ge @!p0 [sflag:s15], $0x100  }
0x21: {  	[sflag:s15] =	ssyncset.done @!p0 $0x0  }
0x22: {  	[sflag:s15] =	ssyncadd.s32 @!p0 $0xFFFFFF00  }
.LBB2_1:
0x23: {  	[spmem:s16], [sflag:s5] =	dma.local [hbm:s3], $0x2700  }
0x24: {  	[spmem:s17], [sflag:s5] =	dma.local @!p0 [hbm:s7], $0x100  }
0x25: {  	[tilespmem:s2], [sflag:$0x3] =	stream.linear.gather [hbm4b:s6+s2], $0x100, $0x38;
	[tilespmem:$0x1DD80] =	vst v63  }
0x26: {  	_ = 	snop  }
0x27: {  	[tilespmem:s18], [sflag:$0x3] =	stream.linear.gather [hbm4b:s8+s2], $0x100, $0x38;
	[tilespmem:$0x1DD80] =	vst v63  }
0x28: {  	_ = 	snop  }
0x29: {  	[tilespmem:s19], [sflag:$0x3] =	stream.linear.gather [hbm4b:s9+s2], $0x100, $0x38;
	[tilespmem:$0x1DD80] =	vst v63  }
0x2a: {  	s15 =	simm.s32 $0x300  }
0x2b: {  	[tilespmem:s15], [sflag:$0x3] =	stream.linear.gather [hbm4b:s10+s2], $0x100, $0x38;
	[tilespmem:$0x1DD80] =	vst v63  }
0x2c: {  	_ =	swait.ge [sflag:s21], $0x100  }
0x2d: {  	[sflag:s21] =	ssyncset.done $0x0  }
0x2e: {  	s23 =	simm.s32 $0x500;
	[sflag:s21] =	ssyncadd.s32 $0xFFFFFF00  }
0x2f: {  	[tilespmem:s23], [sflag:$0x1] =	stream.indirect.gather [hbm4b:s11+s22], $0x80, s2, s22, $0xb8;
	[tilespmem:$0x1DD80] =	vst v63  }
0x30: {  	_ =	swait.ge [sflag:s21], $0x100  }
0x31: {  	[sflag:s21] =	ssyncset.done $0x0  }
0x32: {  	s24 =	simm.s32 $0x2D00;
	[sflag:s21] =	ssyncadd.s32 $0xFFFFFF00  }
0x33: {  	[tilespmem:s24], [sflag:$0x1] =	stream.indirect.gather [hbm4b:s11+s22], $0x80, s18, s22, $0xb8;
	[tilespmem:$0x1DD80] =	vst v63  }
0x34: {  	_ =	swait.ge [sflag:s21], $0x100  }
0x35: {  	[sflag:s21] =	ssyncset.done $0x0  }
0x36: {  	s25 =	simm.s32 $0x5500;
	[sflag:s21] =	ssyncadd.s32 $0xFFFFFF00  }
0x37: {  	[tilespmem:s25], [sflag:$0x1] =	stream.indirect.gather [hbm4b:s11+s22], $0x80, s19, s22, $0xb8;
	[tilespmem:$0x1DD80] =	vst v63  }
0x38: {  	_ =	swait.ge [sflag:s26], $0x2700  }
0x39: {  	[sflag:s26] =	ssyncset.done $0x0  }
0x3a: {  	s15 =	simm.s32 @!p0 $0x4;
	[sflag:s26] =	ssyncadd.s32 $0xFFFFD900  }
.Ltmp2:
0x3b: {  	_ =	swait.ge @!p0 [sflag:s15], $0x100;
	(pc) =	sbr.rel .LBB2_2-.Ltmp2, $4  }
0x3c: {  	[sflag:s15] =	ssyncset.done @!p0 $0x0  }
0x3d: {  	[sflag:s15] =	ssyncadd.s32 @!p0 $0xFFFFFF00  }
0x3e: {  	[bflag:$0x0] =	sbarrier.arrive $0xFFFF  }
0x3f: {  	s20 =	simm.s32 $0x0;
	s15 =	smov.u32 s0  }
.LBB2_3:
0x40: {  	s23 =	sadd.s32 $0x4, s20  }
0x41: {  	s24 =	smul.u32 $0xCD, s23;
	_ =	sdelay $0x1  }
0x42: {  	s24 =	sshrl.u32 s24, $0xA  }
0x43: {  	s24 =	sand.u32 $0x3F, s24  }
0x44: {  	s24 =	smul.u32 $0x5, s24;
	_ =	sdelay $0x1  }
0x45: {  	s23 =	ssub.s32 s23, s24  }
0x46: {  	s23 =	sand.u32 $0xFF, s23  }
0x47: {  	s23 =	sshll.u32 s23, $0x8  }
0x48: {  	[tilespmem:s23], [sflag:$0x3] =	stream.linear.gather [hbm4b:s15+s2], $0x100, $0x38;
	[tilespmem:$0x1DD80] =	vst v63  }
.LBB2_5:
0x49: {  	s23 =	sadd.s32 $0x3, s20  }
0x4a: {  	s24 =	smul.u32 $0xCD, s23;
	_ =	sdelay $0x1  }
0x4b: {  	s24 =	sshrl.u32 s24, $0xA  }
0x4c: {  	s24 =	sand.u32 $0x3F, s24  }
0x4d: {  	s25 =	sand.u32 $0x3, s23;
	s24 =	smul.u32 $0x5, s24  }
0x4e: {  	s25 =	smul.u32 $0xA000, s25  }
0x4f: {  	_ =	swait.ge [sflag:s21], $0x100;
	s23 =	ssub.s32 s23, s24  }
0x50: {  	[sflag:s21] =	ssyncset.done $0x0;
	s25 =	sshrl.u32 s25, $0x2;
	s23 =	sand.u32 $0xFF, s23  }
0x51: {  	[sflag:s21] =	ssyncadd.s32 $0xFFFFFF00;
	s24 =	sor.u32 $0x500, s25;
	s23 =	sshll.u32 s23, $0x8  }
0x52: {  	[tilespmem:s24], [sflag:$0x1] =	stream.indirect.gather [hbm4b:s11+s22], $0x80, s23, s22, $0xb8;
	[tilespmem:$0x1DD80] =	vst v63  }
.LBB2_6:
0x53: {  	s20 =	sadd.s32 $0x1, s20  }
0x54: {  	p1 =	sne.s32 s20, $0x7D  }
.Ltmp3:
0x55: {  	_ = 	snop;
	(pc) =	sbr.rel @!p1 .LBB2_7-.Ltmp3, $2  }
0x56: {  	_ =	sdelay $0x2  }
0x57: {  	s15 =	sadd.s32 $0x20, s15  }
.LBB2_2:
0x58: {  	s23 =	smul.u32 $0xCD, s20;
	_ =	sdelay $0x1  }
0x59: {  	s23 =	sshrl.u32 s23, $0xA  }
0x5a: {  	s23 =	sand.u32 $0x3F, s23  }
0x5b: {  	s23 =	smul.u32 $0x5, s23  }
0x5c: {  	s24 =	sand.u32 $0x3, s20;
	_ =	swait.ge [sflag:s28], $0x2800  }
0x5d: {  	p1 =	seq.s32 s20, $0x0;
	s24 =	smul.u32 $0xA000, s24;
	s23 =	ssub.s32 s20, s23  }
0x5e: {  	[sflag:s28] =	ssyncset.done $0x0;
	p2 =	sgt.u32 @!p1 s20, $0x78;
	s23 =	sand.u32 $0xFF, s23  }
0x5f: {  	[sflag:s28] =	ssyncadd.s32 $0xFFFFD800;
	s24 =	sshrl.u32 s24, $0x2;
	s23 =	sshll.u32 s23, $0x8  }
0x60: {  	p2 =	por p1, !p2;
	s24 =	sor.u32 $0x500, s24;
	s23 =	sor.u32 $0x80, s23  }
0x61: {  	[spmem:s1] =	stream.indirect.scatter.add.f32 [tilespmem:s24], [sflag:$0x2], $0x80, s23, s22, $0xb8;
	[tilespmem:$0x1DD80] =	vst v63  }
.Ltmp4:
0x62: {  	_ = 	snop;
	(pc) =	sbr.rel @p2 .LBB2_3-.Ltmp4, $4  }
0x63: {  	s23 =	simm.s32 @!p1 $0x2  }
0x64: {  	_ =	swait.ge @!p1 [sflag:s23], $0x2800  }
0x65: {  	[sflag:s23] =	ssyncset.done @!p1 $0x0  }
0x66: {  	[sflag:s23] =	ssyncadd.s32 @!p1 $0xFFFFD800  }
0x67: {  	p1 =	sne.s32 s20, $0x79  }
.Ltmp5:
0x68: {  	_ = 	snop;
	(pc) =	sbr.rel @p1 .LBB2_6-.Ltmp5, $4  }
.Ltmp6:
0x69: {  	_ = 	snop;
	(pc) =	sbr.rel @!p1 .LBB2_5-.Ltmp6, $4  }
0x6a: {  	_ = 	snop  }
0x6b: {  	_ = 	snop  }
0x6c: {  	_ = 	snop  }
0x6d: {  	_ = 	snop  }
.LBB2_8:
0x6e: {  	_ =	sfence.sel $0x180000  }
0x6f: {  	[bflag:$0x0] =	sbarrier.arrive $0xFFFF  }
0x70: {  	_ =	strace $0x9000004A  }
0x71: {  	[bflag:$0x2] =	sbarrier.arrive $0xFFFF  }
0x72: {  	s0 =	rddreg [dreg:$0x3]  }
0x73: {  	s0 =	sadd.s32 @!p0 $0x100000, s0  }
0x74: {  	[sflag:s0] =	ssyncadd.tile.s32 @!p0 $0x1;
	_ =	shalt  }
.Lfunc_end2:
_tile_overlayer_lowered:
.L_overlay_start_2:
0x75: {  	(tag) =	ssettag $0x2  }
0x76: {  	s0 =	rddreg [dreg:$0x0];
	s2 =	stileid.u32  }
0x77: {  	s1 =	rddreg [dreg:$0x1];
	p0 =	sne.s32 s2, $0x0  }
0x78: {  	s3 =	rddreg [dreg:$0x2];
	[bflag:$0x3] =	sbarrier.arrive $0xFFFF;
	s2 =	simm.s32 @!p0 $0x1C05  }
0x79: {  	[timem:s3], [sflag:s2] =	dma.local @!p0 [hbm:s0], s1  }
0x7a: {  	s0 =	simm.s32 @!p0 $0x5  }
0x7b: {  	_ =	swait.ge @!p0 [sflag:s0], s1  }
0x7c: {  	s1 =	ssub.s32 @!p0 $0x0, s1;
	[sflag:s0] =	ssyncset.done @!p0 $0x0  }
0x7d: {  	[sflag:s0] =	ssyncadd.s32 @!p0 s1  }
0x7e: {  	[bflag:$0x3] =	sbarrier.arrive $0xFFFF  }
0x7f: {  	_ =	shalt  }

</sc_bundles>
